<compile_context>
chip_gen: v7x
topology: tpu7x:2x2x1
jax: 0.10.2.dev20260603
libtpu: 0.0.44.dev20260713+nightly
codegen_flags: <defaults>
</compile_context>

<pallas_src>
import functools

import jax
import jax.numpy as jnp
from jax import lax
from jax.experimental import pallas as pl
from jax.experimental.pallas import tpu as pltpu
from jax.experimental.pallas import tpu_sc as plsc

B, L, D = 4096, 200, 32
NC, NS = 2, 16
NW = NC * NS
SEQ_W = B // NW
RT, IT = D // 8, 8
CT, JT = B // 128, 128
LT = L // 8
NPAIR = (LT - 1) // 2
TT = 5

_mesh = plsc.VectorSubcoreMesh(core_axis_name="c", subcore_axis_name="s")


@functools.partial(
    pl.kernel,
    mesh=_mesh,
    out_type=jax.ShapeDtypeStruct((LT, CT, IT, JT, D), jnp.float32),
    scratch_types=[
        pltpu.VMEM((IT, JT), jnp.int32),
        pltpu.VMEM((IT, JT), jnp.int32),
        pltpu.VMEM((IT, JT, D), jnp.float32),
        pltpu.VMEM((IT, JT, D), jnp.float32),
        pltpu.HBM((IT, JT, D), jnp.float32),
        pltpu.SemaphoreType.DMA,
        pltpu.SemaphoreType.DMA,
        pltpu.SemaphoreType.DMA,
        pltpu.SemaphoreType.DMA,
        pltpu.SemaphoreType.DMA,
        pltpu.SemaphoreType.DMA,
    ],
    compiler_params=pltpu.CompilerParams(
        use_tc_tiling_on_sc=False, needs_layout_passes=False),
)
def _gather_kernel(table_hbm, idx_hbm, out_hbm, ix0, ix1, g0, g1,
                   dummy_hbm, sem_i0, sem_i1, sem_g0, sem_g1,
                   sem_w0, sem_w1):
    wid = lax.axis_index("s") * NC + lax.axis_index("c")

    def fire_idx(grp, ix, sem):
        return pltpu.async_copy(idx_hbm.at[grp, wid], ix, sem)

    def fire_gathers(ix, g, sem):
        for i in range(IT):
            pltpu.async_copy(table_hbm.at[ix.at[i]], g.at[i], sem)

    def fire_write(grp, g, sem):
        return pltpu.async_copy(g, out_hbm.at[grp, wid], sem)

    def drain_i(ix, sem):
        pltpu.make_async_copy(idx_hbm.at[0, 0], ix, sem).wait()

    def drain_g(g, sem):
        pltpu.make_async_copy(dummy_hbm, g, sem).wait()

    def drain_w(g, sem):
        pltpu.make_async_copy(dummy_hbm, g, sem).wait()

    fire_idx(0, ix0, sem_i0)
    drain_i(ix0, sem_i0)
    fire_gathers(ix0, g0, sem_g0)
    fire_idx(1, ix1, sem_i1)

    def body(i, carry):
        a = 2 * i
        drain_i(ix1, sem_i1)

        @pl.when(i > 0)
        def _():
            drain_w(g1, sem_w1)

        fire_gathers(ix1, g1, sem_g1)
        drain_g(g0, sem_g0)
        fire_idx(a + 2, ix0, sem_i0)
        fire_write(a, g0, sem_w0)

        drain_i(ix0, sem_i0)
        drain_w(g0, sem_w0)
        fire_gathers(ix0, g0, sem_g0)
        drain_g(g1, sem_g1)

        @pl.when(a + 3 < LT)
        def _():
            fire_idx(a + 3, ix1, sem_i1)

        fire_write(a + 1, g1, sem_w1)
        return carry

    lax.fori_loop(0, NPAIR, body, 0)

    drain_g(g0, sem_g0)
    drain_w(g1, sem_w1)
    fire_write(LT - 1, g0, sem_w0)
    drain_w(g0, sem_w0)


def _relayout_body(x_ref, o_ref):
    x = x_ref[...].reshape(TT * IT, JT // 4, 4, D)
    o = jnp.transpose(x, (0, 3, 1, 2))
    o_ref[...] = o.reshape(TT * IT, RT, 1, IT, JT)


_relayout = pl.pallas_call(
    _relayout_body,
    grid=(CT, LT // TT),
    in_specs=[pl.BlockSpec(
        (TT, 1, IT * JT * D // 128, 128), lambda c, t: (t, c, 0, 0))],
    out_specs=pl.BlockSpec(
        (TT * IT, RT, 1, IT, JT), lambda c, t: (t, 0, c, 0, 0)),
    out_shape=jax.ShapeDtypeStruct((L, RT, CT, IT, JT), jnp.float32),
)


def kernel(input_seqs, table):
    idx4 = input_seqs.T.reshape(LT, IT, CT, JT).transpose(0, 2, 1, 3)
    staged = _gather_kernel(table, idx4)
    out5 = _relayout(staged.reshape(LT, CT, IT * JT * D // 128, 128))
    return out5.transpose(2, 4, 0, 1, 3).reshape(B, L, D)

# --- scband reference (transcript-rebuilt; emitter-appended) ---
"""Pipeline reference for scband-tag-embeddings-38001870635390 (READ-ONLY COPY).

The authoritative reference and input builder live on the scoring server;
editing this copy changes nothing except your own understanding.
"""

import jax, jax.numpy as jnp
import numpy as np

B, L = 4096, 200
V, D = 1000000, 32
PAD = 1


def setup_inputs(seed: int = 0) -> dict:
    key = jax.random.key(seed)
    k1, k2 = jax.random.split(key)
    input_seqs = jax.random.randint(k1, (B, L), 0, V, dtype=jnp.int32)
    table = jax.random.normal(k2, (V, D), dtype=jnp.float32) * 0.02
    # emulate nn.Embedding padding_idx: padding row initialized to zero
    table = table.at[PAD].set(0.0)
    return {"input_seqs": input_seqs, "table": table}


def reference(input_seqs, table):
    # embedding gather; padding_idx row outputs zeros
    emb = jnp.take(table, input_seqs, axis=0)
    mask = (input_seqs != PAD)[..., None].astype(emb.dtype)
    return emb * mask

if __name__ == "__main__":
    import jax
    _d = setup_inputs()
    print(jax.jit(kernel)(*tuple(_d.values())))

</pallas_src>

<mosaic_0001>
#map = affine_map<(d0, d1) -> (0, 0)>
#map1 = affine_map<(d0, d1) -> (0, 0, 0, 0)>
#map2 = affine_map<(d0, d1) -> (0, 0, 0, 0, 0)>
module attributes {stable_mosaic.version = 14 : i64} {
  func.func @_gather_kernel(%arg0: i32, %arg1: i32, %arg2: memref<1000000x32xf32, #tpu.memory_space<hbm>>, %arg3: memref<25x32x8x128xi32, #tpu.memory_space<hbm>>, %arg4: memref<25x32x8x128x32xf32, #tpu.memory_space<hbm>>, %arg5: memref<8x128xi32, #tpu.memory_space<vmem>>, %arg6: memref<8x128xi32, #tpu.memory_space<vmem>>, %arg7: memref<8x128x32xf32, #tpu.memory_space<vmem>>, %arg8: memref<8x128x32xf32, #tpu.memory_space<vmem>>, %arg9: memref<8x128x32xf32, #tpu.memory_space<hbm>>, %arg10: memref<!tpu.dma_semaphore, #tpu.memory_space<semaphore_mem>>, %arg11: memref<!tpu.dma_semaphore, #tpu.memory_space<semaphore_mem>>, %arg12: memref<!tpu.dma_semaphore, #tpu.memory_space<semaphore_mem>>, %arg13: memref<!tpu.dma_semaphore, #tpu.memory_space<semaphore_mem>>, %arg14: memref<!tpu.dma_semaphore, #tpu.memory_space<semaphore_mem>>, %arg15: memref<!tpu.dma_semaphore, #tpu.memory_space<semaphore_mem>>) attributes {dimension_semantics = [#tpu.dimension_semantics<core_parallel>, #tpu.dimension_semantics<subcore_parallel>], iteration_bounds = array<i64: 2, 16>, scalar_prefetch = 0 : i64, scratch_operands = 11 : i64, tpu.core_type = #tpu.core_type<sc_vector_subcore>, window_params = [{transform_indices = #map}, {transform_indices = #map1}, {transform_indices = #map2}]} {
    %mul3A = arith.constant 2 : i32
    %mul3A_0 = arith.muli %arg1, %mul3A : i32
    %add3A = arith.addi %mul3A_0, %arg0 : i32
    %dma_start3A = arith.constant 0 : i32
    %dma_start3A_1 = arith.constant 0 : i32
    %dma_start3A_2 = arith.constant 0 : i32
    %dma_start3A_3 = tpu.memref_slice %arg3[%dma_start3A, %add3A, %dma_start3A_1, %dma_start3A_2] : memref<25x32x8x128xi32, #tpu.memory_space<hbm>> -> memref<1x1x8x128xi32, #tpu.memory_space<hbm>>
    %dma_start3A_4 = tpu.memref_squeeze %dma_start3A_3 : memref<1x1x8x128xi32, #tpu.memory_space<hbm>> -> memref<8x128xi32, #tpu.memory_space<hbm>>
    %dma_start3A_5 = arith.constant 0 : i32
    %dma_start3A_6 = arith.constant 0 : i32
    %dma_start3A_7 = tpu.memref_slice %arg3[%dma_start3A, %add3A, %dma_start3A_5, %dma_start3A_6] : memref<25x32x8x128xi32, #tpu.memory_space<hbm>> -> memref<1x1x8x128xi32, #tpu.memory_space<hbm>>
    %dma_start3A_8 = tpu.memref_squeeze %dma_start3A_7 : memref<1x1x8x128xi32, #tpu.memory_space<hbm>> -> memref<8x128xi32, #tpu.memory_space<hbm>>
    tpu.enqueue_dma source(%dma_start3A_8 : memref<8x128xi32, #tpu.memory_space<hbm>>) target(%arg5 : memref<8x128xi32, #tpu.memory_space<vmem>>) target_semaphore(%arg10 : memref<!tpu.dma_semaphore, #tpu.memory_space<semaphore_mem>>)
    %dma_wait3A = arith.constant 0 : i32
    %dma_wait3A_9 = arith.constant 0 : i32
    %dma_wait3A_10 = arith.constant 0 : i32
    %dma_wait3A_11 = arith.constant 0 : i32
    %dma_wait3A_12 = tpu.memref_slice %arg3[%dma_wait3A, %dma_wait3A_9, %dma_wait3A_10, %dma_wait3A_11] : memref<25x32x8x128xi32, #tpu.memory_space<hbm>> -> memref<1x1x8x128xi32, #tpu.memory_space<hbm>>
    %dma_wait3A_13 = tpu.memref_squeeze %dma_wait3A_12 : memref<1x1x8x128xi32, #tpu.memory_space<hbm>> -> memref<8x128xi32, #tpu.memory_space<hbm>>
    %dma_wait3A_14 = arith.constant 0 : i32
    %dma_wait3A_15 = arith.constant 0 : i32
    %dma_wait3A_16 = tpu.memref_slice %arg3[%dma_wait3A, %dma_wait3A_9, %dma_wait3A_14, %dma_wait3A_15] : memref<25x32x8x128xi32, #tpu.memory_space<hbm>> -> memref<1x1x8x128xi32, #tpu.memory_space<hbm>>
    %dma_wait3A_17 = tpu.memref_squeeze %dma_wait3A_16 : memref<1x1x8x128xi32, #tpu.memory_space<hbm>> -> memref<8x128xi32, #tpu.memory_space<hbm>>
    tpu.wait_dma2 semaphore(%arg10 : memref<!tpu.dma_semaphore, #tpu.memory_space<semaphore_mem>>) src(%dma_wait3A_17 : memref<8x128xi32, #tpu.memory_space<hbm>>) dst(%arg5 : memref<8x128xi32, #tpu.memory_space<vmem>>)
    %dma_start3A_18 = arith.constant 0 : i32
    %dma_start3A_19 = arith.constant 0 : i32
    %dma_start3A_20 = arith.constant 0 : i32
    %dma_start3A_21 = arith.constant 0 : i32
    %dma_start3A_22 = tpu.memref_slice %arg7[%dma_start3A_19, %dma_start3A_20, %dma_start3A_21] : memref<8x128x32xf32, #tpu.memory_space<vmem>> -> memref<1x128x32xf32, #tpu.memory_space<vmem>>
    %dma_start3A_23 = tpu.memref_squeeze %dma_start3A_22 : memref<1x128x32xf32, #tpu.memory_space<vmem>> -> memref<128x32xf32, #tpu.memory_space<vmem>>
    %dma_start3A_24 = arith.constant 0 : i32
    %dma_start3A_25 = tpu.memref_slice %arg5[%dma_start3A_18, %dma_start3A_24] : memref<8x128xi32, #tpu.memory_space<vmem>> -> memref<1x128xi32, #tpu.memory_space<vmem>>
    %dma_start3A_26 = tpu.memref_squeeze %dma_start3A_25 : memref<1x128xi32, #tpu.memory_space<vmem>> -> memref<128xi32, #tpu.memory_space<vmem>>
    %dma_start3A_27 = arith.constant 0 : i32
    %dma_start3A_28 = arith.constant 0 : i32
    %dma_start3A_29 = tpu.memref_slice %arg2[%dma_start3A_27, %dma_start3A_28] : memref<1000000x32xf32, #tpu.memory_space<hbm>> -> memref<1000000x32xf32, #tpu.memory_space<hbm>>
    tpu.enqueue_indirect_dma source(%dma_start3A_29 : memref<1000000x32xf32, #tpu.memory_space<hbm>>) target(%dma_start3A_23 : memref<128x32xf32, #tpu.memory_space<vmem>>) offsets(%dma_start3A_26 : memref<128xi32, #tpu.memory_space<vmem>>) semaphore(%arg12 : memref<!tpu.dma_semaphore, #tpu.memory_space<semaphore_mem>>)
    %dma_start3A_30 = arith.constant 1 : i32
    %dma_start3A_31 = arith.constant 1 : i32
    %dma_start3A_32 = arith.constant 0 : i32
    %dma_start3A_33 = arith.constant 0 : i32
    %dma_start3A_34 = tpu.memref_slice %arg7[%dma_start3A_31, %dma_start3A_32, %dma_start3A_33] : memref<8x128x32xf32, #tpu.memory_space<vmem>> -> memref<1x128x32xf32, #tpu.memory_space<vmem>>
    %dma_start3A_35 = tpu.memref_squeeze %dma_start3A_34 : memref<1x128x32xf32, #tpu.memory_space<vmem>> -> memref<128x32xf32, #tpu.memory_space<vmem>>
    %dma_start3A_36 = arith.constant 0 : i32
    %dma_start3A_37 = tpu.memref_slice %arg5[%dma_start3A_30, %dma_start3A_36] : memref<8x128xi32, #tpu.memory_space<vmem>> -> memref<1x128xi32, #tpu.memory_space<vmem>>
    %dma_start3A_38 = tpu.memref_squeeze %dma_start3A_37 : memref<1x128xi32, #tpu.memory_space<vmem>> -> memref<128xi32, #tpu.memory_space<vmem>>
    %dma_start3A_39 = arith.constant 0 : i32
    %dma_start3A_40 = arith.constant 0 : i32
    %dma_start3A_41 = tpu.memref_slice %arg2[%dma_start3A_39, %dma_start3A_40] : memref<1000000x32xf32, #tpu.memory_space<hbm>> -> memref<1000000x32xf32, #tpu.memory_space<hbm>>
    tpu.enqueue_indirect_dma source(%dma_start3A_41 : memref<1000000x32xf32, #tpu.memory_space<hbm>>) target(%dma_start3A_35 : memref<128x32xf32, #tpu.memory_space<vmem>>) offsets(%dma_start3A_38 : memref<128xi32, #tpu.memory_space<vmem>>) semaphore(%arg12 : memref<!tpu.dma_semaphore, #tpu.memory_space<semaphore_mem>>)
    %dma_start3A_42 = arith.constant 2 : i32
    %dma_start3A_43 = arith.constant 2 : i32
    %dma_start3A_44 = arith.constant 0 : i32
    %dma_start3A_45 = arith.constant 0 : i32
    %dma_start3A_46 = tpu.memref_slice %arg7[%dma_start3A_43, %dma_start3A_44, %dma_start3A_45] : memref<8x128x32xf32, #tpu.memory_space<vmem>> -> memref<1x128x32xf32, #tpu.memory_space<vmem>>
    %dma_start3A_47 = tpu.memref_squeeze %dma_start3A_46 : memref<1x128x32xf32, #tpu.memory_space<vmem>> -> memref<128x32xf32, #tpu.memory_space<vmem>>
    %dma_start3A_48 = arith.constant 0 : i32
    %dma_start3A_49 = tpu.memref_slice %arg5[%dma_start3A_42, %dma_start3A_48] : memref<8x128xi32, #tpu.memory_space<vmem>> -> memref<1x128xi32, #tpu.memory_space<vmem>>
    %dma_start3A_50 = tpu.memref_squeeze %dma_start3A_49 : memref<1x128xi32, #tpu.memory_space<vmem>> -> memref<128xi32, #tpu.memory_space<vmem>>
    %dma_start3A_51 = arith.constant 0 : i32
    %dma_start3A_52 = arith.constant 0 : i32
    %dma_start3A_53 = tpu.memref_slice %arg2[%dma_start3A_51, %dma_start3A_52] : memref<1000000x32xf32, #tpu.memory_space<hbm>> -> memref<1000000x32xf32, #tpu.memory_space<hbm>>
    tpu.enqueue_indirect_dma source(%dma_start3A_53 : memref<1000000x32xf32, #tpu.memory_space<hbm>>) target(%dma_start3A_47 : memref<128x32xf32, #tpu.memory_space<vmem>>) offsets(%dma_start3A_50 : memref<128xi32, #tpu.memory_space<vmem>>) semaphore(%arg12 : memref<!tpu.dma_semaphore, #tpu.memory_space<semaphore_mem>>)
    %dma_start3A_54 = arith.constant 3 : i32
    %dma_start3A_55 = arith.constant 3 : i32
    %dma_start3A_56 = arith.constant 0 : i32
    %dma_start3A_57 = arith.constant 0 : i32
    %dma_start3A_58 = tpu.memref_slice %arg7[%dma_start3A_55, %dma_start3A_56, %dma_start3A_57] : memref<8x128x32xf32, #tpu.memory_space<vmem>> -> memref<1x128x32xf32, #tpu.memory_space<vmem>>
    %dma_start3A_59 = tpu.memref_squeeze %dma_start3A_58 : memref<1x128x32xf32, #tpu.memory_space<vmem>> -> memref<128x32xf32, #tpu.memory_space<vmem>>
    %dma_start3A_60 = arith.constant 0 : i32
    %dma_start3A_61 = tpu.memref_slice %arg5[%dma_start3A_54, %dma_start3A_60] : memref<8x128xi32, #tpu.memory_space<vmem>> -> memref<1x128xi32, #tpu.memory_space<vmem>>
    %dma_start3A_62 = tpu.memref_squeeze %dma_start3A_61 : memref<1x128xi32, #tpu.memory_space<vmem>> -> memref<128xi32, #tpu.memory_space<vmem>>
    %dma_start3A_63 = arith.constant 0 : i32
    %dma_start3A_64 = arith.constant 0 : i32
    %dma_start3A_65 = tpu.memref_slice %arg2[%dma_start3A_63, %dma_start3A_64] : memref<1000000x32xf32, #tpu.memory_space<hbm>> -> memref<1000000x32xf32, #tpu.memory_space<hbm>>
    tpu.enqueue_indirect_dma source(%dma_start3A_65 : memref<1000000x32xf32, #tpu.memory_space<hbm>>) target(%dma_start3A_59 : memref<128x32xf32, #tpu.memory_space<vmem>>) offsets(%dma_start3A_62 : memref<128xi32, #tpu.memory_space<vmem>>) semaphore(%arg12 : memref<!tpu.dma_semaphore, #tpu.memory_space<semaphore_mem>>)
    %dma_start3A_66 = arith.constant 4 : i32
    %dma_start3A_67 = arith.constant 4 : i32
    %dma_start3A_68 = arith.constant 0 : i32
    %dma_start3A_69 = arith.constant 0 : i32
    %dma_start3A_70 = tpu.memref_slice %arg7[%dma_start3A_67, %dma_start3A_68, %dma_start3A_69] : memref<8x128x32xf32, #tpu.memory_space<vmem>> -> memref<1x128x32xf32, #tpu.memory_space<vmem>>
    %dma_start3A_71 = tpu.memref_squeeze %dma_start3A_70 : memref<1x128x32xf32, #tpu.memory_space<vmem>> -> memref<128x32xf32, #tpu.memory_space<vmem>>
    %dma_start3A_72 = arith.constant 0 : i32
    %dma_start3A_73 = tpu.memref_slice %arg5[%dma_start3A_66, %dma_start3A_72] : memref<8x128xi32, #tpu.memory_space<vmem>> -> memref<1x128xi32, #tpu.memory_space<vmem>>
    %dma_start3A_74 = tpu.memref_squeeze %dma_start3A_73 : memref<1x128xi32, #tpu.memory_space<vmem>> -> memref<128xi32, #tpu.memory_space<vmem>>
    %dma_start3A_75 = arith.constant 0 : i32
    %dma_start3A_76 = arith.constant 0 : i32
    %dma_start3A_77 = tpu.memref_slice %arg2[%dma_start3A_75, %dma_start3A_76] : memref<1000000x32xf32, #tpu.memory_space<hbm>> -> memref<1000000x32xf32, #tpu.memory_space<hbm>>
    tpu.enqueue_indirect_dma source(%dma_start3A_77 : memref<1000000x32xf32, #tpu.memory_space<hbm>>) target(%dma_start3A_71 : memref<128x32xf32, #tpu.memory_space<vmem>>) offsets(%dma_start3A_74 : memref<128xi32, #tpu.memory_space<vmem>>) semaphore(%arg12 : memref<!tpu.dma_semaphore, #tpu.memory_space<semaphore_mem>>)
    %dma_start3A_78 = arith.constant 5 : i32
    %dma_start3A_79 = arith.constant 5 : i32
    %dma_start3A_80 = arith.constant 0 : i32
    %dma_start3A_81 = arith.constant 0 : i32
    %dma_start3A_82 = tpu.memref_slice %arg7[%dma_start3A_79, %dma_start3A_80, %dma_start3A_81] : memref<8x128x32xf32, #tpu.memory_space<vmem>> -> memref<1x128x32xf32, #tpu.memory_space<vmem>>
    %dma_start3A_83 = tpu.memref_squeeze %dma_start3A_82 : memref<1x128x32xf32, #tpu.memory_space<vmem>> -> memref<128x32xf32, #tpu.memory_space<vmem>>
    %dma_start3A_84 = arith.constant 0 : i32
    %dma_start3A_85 = tpu.memref_slice %arg5[%dma_start3A_78, %dma_start3A_84] : memref<8x128xi32, #tpu.memory_space<vmem>> -> memref<1x128xi32, #tpu.memory_space<vmem>>
    %dma_start3A_86 = tpu.memref_squeeze %dma_start3A_85 : memref<1x128xi32, #tpu.memory_space<vmem>> -> memref<128xi32, #tpu.memory_space<vmem>>
    %dma_start3A_87 = arith.constant 0 : i32
    %dma_start3A_88 = arith.constant 0 : i32
    %dma_start3A_89 = tpu.memref_slice %arg2[%dma_start3A_87, %dma_start3A_88] : memref<1000000x32xf32, #tpu.memory_space<hbm>> -> memref<1000000x32xf32, #tpu.memory_space<hbm>>
    tpu.enqueue_indirect_dma source(%dma_start3A_89 : memref<1000000x32xf32, #tpu.memory_space<hbm>>) target(%dma_start3A_83 : memref<128x32xf32, #tpu.memory_space<vmem>>) offsets(%dma_start3A_86 : memref<128xi32, #tpu.memory_space<vmem>>) semaphore(%arg12 : memref<!tpu.dma_semaphore, #tpu.memory_space<semaphore_mem>>)
    %dma_start3A_90 = arith.constant 6 : i32
    %dma_start3A_91 = arith.constant 6 : i32
    %dma_start3A_92 = arith.constant 0 : i32
    %dma_start3A_93 = arith.constant 0 : i32
    %dma_start3A_94 = tpu.memref_slice %arg7[%dma_start3A_91, %dma_start3A_92, %dma_start3A_93] : memref<8x128x32xf32, #tpu.memory_space<vmem>> -> memref<1x128x32xf32, #tpu.memory_space<vmem>>
    %dma_start3A_95 = tpu.memref_squeeze %dma_start3A_94 : memref<1x128x32xf32, #tpu.memory_space<vmem>> -> memref<128x32xf32, #tpu.memory_space<vmem>>
    %dma_start3A_96 = arith.constant 0 : i32
    %dma_start3A_97 = tpu.memref_slice %arg5[%dma_start3A_90, %dma_start3A_96] : memref<8x128xi32, #tpu.memory_space<vmem>> -> memref<1x128xi32, #tpu.memory_space<vmem>>
    %dma_start3A_98 = tpu.memref_squeeze %dma_start3A_97 : memref<1x128xi32, #tpu.memory_space<vmem>> -> memref<128xi32, #tpu.memory_space<vmem>>
    %dma_start3A_99 = arith.constant 0 : i32
    %dma_start3A_100 = arith.constant 0 : i32
    %dma_start3A_101 = tpu.memref_slice %arg2[%dma_start3A_99, %dma_start3A_100] : memref<1000000x32xf32, #tpu.memory_space<hbm>> -> memref<1000000x32xf32, #tpu.memory_space<hbm>>
    tpu.enqueue_indirect_dma source(%dma_start3A_101 : memref<1000000x32xf32, #tpu.memory_space<hbm>>) target(%dma_start3A_95 : memref<128x32xf32, #tpu.memory_space<vmem>>) offsets(%dma_start3A_98 : memref<128xi32, #tpu.memory_space<vmem>>) semaphore(%arg12 : memref<!tpu.dma_semaphore, #tpu.memory_space<semaphore_mem>>)
    %dma_start3A_102 = arith.constant 7 : i32
    %dma_start3A_103 = arith.constant 7 : i32
    %dma_start3A_104 = arith.constant 0 : i32
    %dma_start3A_105 = arith.constant 0 : i32
    %dma_start3A_106 = tpu.memref_slice %arg7[%dma_start3A_103, %dma_start3A_104, %dma_start3A_105] : memref<8x128x32xf32, #tpu.memory_space<vmem>> -> memref<1x128x32xf32, #tpu.memory_space<vmem>>
    %dma_start3A_107 = tpu.memref_squeeze %dma_start3A_106 : memref<1x128x32xf32, #tpu.memory_space<vmem>> -> memref<128x32xf32, #tpu.memory_space<vmem>>
    %dma_start3A_108 = arith.constant 0 : i32
    %dma_start3A_109 = tpu.memref_slice %arg5[%dma_start3A_102, %dma_start3A_108] : memref<8x128xi32, #tpu.memory_space<vmem>> -> memref<1x128xi32, #tpu.memory_space<vmem>>
    %dma_start3A_110 = tpu.memref_squeeze %dma_start3A_109 : memref<1x128xi32, #tpu.memory_space<vmem>> -> memref<128xi32, #tpu.memory_space<vmem>>
    %dma_start3A_111 = arith.constant 0 : i32
    %dma_start3A_112 = arith.constant 0 : i32
    %dma_start3A_113 = tpu.memref_slice %arg2[%dma_start3A_111, %dma_start3A_112] : memref<1000000x32xf32, #tpu.memory_space<hbm>> -> memref<1000000x32xf32, #tpu.memory_space<hbm>>
    tpu.enqueue_indirect_dma source(%dma_start3A_113 : memref<1000000x32xf32, #tpu.memory_space<hbm>>) target(%dma_start3A_107 : memref<128x32xf32, #tpu.memory_space<vmem>>) offsets(%dma_start3A_110 : memref<128xi32, #tpu.memory_space<vmem>>) semaphore(%arg12 : memref<!tpu.dma_semaphore, #tpu.memory_space<semaphore_mem>>)
    %dma_start3A_114 = arith.constant 1 : i32
    %dma_start3A_115 = arith.constant 0 : i32
    %dma_start3A_116 = arith.constant 0 : i32
    %dma_start3A_117 = tpu.memref_slice %arg3[%dma_start3A_114, %add3A, %dma_start3A_115, %dma_start3A_116] : memref<25x32x8x128xi32, #tpu.memory_space<hbm>> -> memref<1x1x8x128xi32, #tpu.memory_space<hbm>>
    %dma_start3A_118 = tpu.memref_squeeze %dma_start3A_117 : memref<1x1x8x128xi32, #tpu.memory_space<hbm>> -> memref<8x128xi32, #tpu.memory_space<hbm>>
    %dma_start3A_119 = arith.constant 0 : i32
    %dma_start3A_120 = arith.constant 0 : i32
    %dma_start3A_121 = tpu.memref_slice %arg3[%dma_start3A_114, %add3A, %dma_start3A_119, %dma_start3A_120] : memref<25x32x8x128xi32, #tpu.memory_space<hbm>> -> memref<1x1x8x128xi32, #tpu.memory_space<hbm>>
    %dma_start3A_122 = tpu.memref_squeeze %dma_start3A_121 : memref<1x1x8x128xi32, #tpu.memory_space<hbm>> -> memref<8x128xi32, #tpu.memory_space<hbm>>
    tpu.enqueue_dma source(%dma_start3A_122 : memref<8x128xi32, #tpu.memory_space<hbm>>) target(%arg6 : memref<8x128xi32, #tpu.memory_space<vmem>>) target_semaphore(%arg11 : memref<!tpu.dma_semaphore, #tpu.memory_space<semaphore_mem>>)
    %scan3A = arith.constant 0 : i32
    %scan3A_123 = arith.constant 0 : i32
    %scan3A_124 = arith.constant 12 : i32
    %scan3A_125 = arith.addi %scan3A_123, %scan3A_124 : i32
    %scan3A_126 = arith.constant 1 : i32
    scf.for %scan3A_139 = %scan3A_123 to %scan3A_125 step %scan3A_126  : i32 {
      %mul3A_140 = arith.constant 2 : i32
      %mul3A_141 = arith.muli %mul3A_140, %scan3A_139 : i32
      %dma_wait3A_142 = arith.constant 0 : i32
      %dma_wait3A_143 = arith.constant 0 : i32
      %dma_wait3A_144 = arith.constant 0 : i32
      %dma_wait3A_145 = arith.constant 0 : i32
      %dma_wait3A_146 = tpu.memref_slice %arg3[%dma_wait3A_142, %dma_wait3A_143, %dma_wait3A_144, %dma_wait3A_145] : memref<25x32x8x128xi32, #tpu.memory_space<hbm>> -> memref<1x1x8x128xi32, #tpu.memory_space<hbm>>
      %dma_wait3A_147 = tpu.memref_squeeze %dma_wait3A_146 : memref<1x1x8x128xi32, #tpu.memory_space<hbm>> -> memref<8x128xi32, #tpu.memory_space<hbm>>
      %dma_wait3A_148 = arith.constant 0 : i32
      %dma_wait3A_149 = arith.constant 0 : i32
      %dma_wait3A_150 = tpu.memref_slice %arg3[%dma_wait3A_142, %dma_wait3A_143, %dma_wait3A_148, %dma_wait3A_149] : memref<25x32x8x128xi32, #tpu.memory_space<hbm>> -> memref<1x1x8x128xi32, #tpu.memory_space<hbm>>
      %dma_wait3A_151 = tpu.memref_squeeze %dma_wait3A_150 : memref<1x1x8x128xi32, #tpu.memory_space<hbm>> -> memref<8x128xi32, #tpu.memory_space<hbm>>
      tpu.wait_dma2 semaphore(%arg11 : memref<!tpu.dma_semaphore, #tpu.memory_space<semaphore_mem>>) src(%dma_wait3A_151 : memref<8x128xi32, #tpu.memory_space<hbm>>) dst(%arg6 : memref<8x128xi32, #tpu.memory_space<vmem>>)
      %gt3A = arith.constant 0 : i32
      %gt3A_152 = arith.cmpi sgt, %scan3A_139, %gt3A : i32
      %convert_element_type3A = arith.extui %gt3A_152 : i1 to i32
      %cond3A = arith.constant 0 : i32
      %cond3A_153 = arith.cmpi ne, %convert_element_type3A, %cond3A : i32
      scf.if %cond3A_153 {
        tpu.wait_dma2 semaphore(%arg15 : memref<!tpu.dma_semaphore, #tpu.memory_space<semaphore_mem>>) src(%arg9 : memref<8x128x32xf32, #tpu.memory_space<hbm>>) dst(%arg8 : memref<8x128x32xf32, #tpu.memory_space<vmem>>)
      } else {
      }
      %dma_start3A_154 = arith.constant 0 : i32
      %dma_start3A_155 = arith.constant 0 : i32
      %dma_start3A_156 = arith.constant 0 : i32
      %dma_start3A_157 = arith.constant 0 : i32
      %dma_start3A_158 = tpu.memref_slice %arg8[%dma_start3A_155, %dma_start3A_156, %dma_start3A_157] : memref<8x128x32xf32, #tpu.memory_space<vmem>> -> memref<1x128x32xf32, #tpu.memory_space<vmem>>
      %dma_start3A_159 = tpu.memref_squeeze %dma_start3A_158 : memref<1x128x32xf32, #tpu.memory_space<vmem>> -> memref<128x32xf32, #tpu.memory_space<vmem>>
      %dma_start3A_160 = arith.constant 0 : i32
      %dma_start3A_161 = tpu.memref_slice %arg6[%dma_start3A_154, %dma_start3A_160] : memref<8x128xi32, #tpu.memory_space<vmem>> -> memref<1x128xi32, #tpu.memory_space<vmem>>
      %dma_start3A_162 = tpu.memref_squeeze %dma_start3A_161 : memref<1x128xi32, #tpu.memory_space<vmem>> -> memref<128xi32, #tpu.memory_space<vmem>>
      %dma_start3A_163 = arith.constant 0 : i32
      %dma_start3A_164 = arith.constant 0 : i32
      %dma_start3A_165 = tpu.memref_slice %arg2[%dma_start3A_163, %dma_start3A_164] : memref<1000000x32xf32, #tpu.memory_space<hbm>> -> memref<1000000x32xf32, #tpu.memory_space<hbm>>
      tpu.enqueue_indirect_dma source(%dma_start3A_165 : memref<1000000x32xf32, #tpu.memory_space<hbm>>) target(%dma_start3A_159 : memref<128x32xf32, #tpu.memory_space<vmem>>) offsets(%dma_start3A_162 : memref<128xi32, #tpu.memory_space<vmem>>) semaphore(%arg13 : memref<!tpu.dma_semaphore, #tpu.memory_space<semaphore_mem>>)
      %dma_start3A_166 = arith.constant 1 : i32
      %dma_start3A_167 = arith.constant 1 : i32
      %dma_start3A_168 = arith.constant 0 : i32
      %dma_start3A_169 = arith.constant 0 : i32
      %dma_start3A_170 = tpu.memref_slice %arg8[%dma_start3A_167, %dma_start3A_168, %dma_start3A_169] : memref<8x128x32xf32, #tpu.memory_space<vmem>> -> memref<1x128x32xf32, #tpu.memory_space<vmem>>
      %dma_start3A_171 = tpu.memref_squeeze %dma_start3A_170 : memref<1x128x32xf32, #tpu.memory_space<vmem>> -> memref<128x32xf32, #tpu.memory_space<vmem>>
      %dma_start3A_172 = arith.constant 0 : i32
      %dma_start3A_173 = tpu.memref_slice %arg6[%dma_start3A_166, %dma_start3A_172] : memref<8x128xi32, #tpu.memory_space<vmem>> -> memref<1x128xi32, #tpu.memory_space<vmem>>
      %dma_start3A_174 = tpu.memref_squeeze %dma_start3A_173 : memref<1x128xi32, #tpu.memory_space<vmem>> -> memref<128xi32, #tpu.memory_space<vmem>>
      %dma_start3A_175 = arith.constant 0 : i32
      %dma_start3A_176 = arith.constant 0 : i32
      %dma_start3A_177 = tpu.memref_slice %arg2[%dma_start3A_175, %dma_start3A_176] : memref<1000000x32xf32, #tpu.memory_space<hbm>> -> memref<1000000x32xf32, #tpu.memory_space<hbm>>
      tpu.enqueue_indirect_dma source(%dma_start3A_177 : memref<1000000x32xf32, #tpu.memory_space<hbm>>) target(%dma_start3A_171 : memref<128x32xf32, #tpu.memory_space<vmem>>) offsets(%dma_start3A_174 : memref<128xi32, #tpu.memory_space<vmem>>) semaphore(%arg13 : memref<!tpu.dma_semaphore, #tpu.memory_space<semaphore_mem>>)
      %dma_start3A_178 = arith.constant 2 : i32
      %dma_start3A_179 = arith.constant 2 : i32
      %dma_start3A_180 = arith.constant 0 : i32
      %dma_start3A_181 = arith.constant 0 : i32
      %dma_start3A_182 = tpu.memref_slice %arg8[%dma_start3A_179, %dma_start3A_180, %dma_start3A_181] : memref<8x128x32xf32, #tpu.memory_space<vmem>> -> memref<1x128x32xf32, #tpu.memory_space<vmem>>
      %dma_start3A_183 = tpu.memref_squeeze %dma_start3A_182 : memref<1x128x32xf32, #tpu.memory_space<vmem>> -> memref<128x32xf32, #tpu.memory_space<vmem>>
      %dma_start3A_184 = arith.constant 0 : i32
      %dma_start3A_185 = tpu.memref_slice %arg6[%dma_start3A_178, %dma_start3A_184] : memref<8x128xi32, #tpu.memory_space<vmem>> -> memref<1x128xi32, #tpu.memory_space<vmem>>
      %dma_start3A_186 = tpu.memref_squeeze %dma_start3A_185 : memref<1x128xi32, #tpu.memory_space<vmem>> -> memref<128xi32, #tpu.memory_space<vmem>>
      %dma_start3A_187 = arith.constant 0 : i32
      %dma_start3A_188 = arith.constant 0 : i32
      %dma_start3A_189 = tpu.memref_slice %arg2[%dma_start3A_187, %dma_start3A_188] : memref<1000000x32xf32, #tpu.memory_space<hbm>> -> memref<1000000x32xf32, #tpu.memory_space<hbm>>
      tpu.enqueue_indirect_dma source(%dma_start3A_189 : memref<1000000x32xf32, #tpu.memory_space<hbm>>) target(%dma_start3A_183 : memref<128x32xf32, #tpu.memory_space<vmem>>) offsets(%dma_start3A_186 : memref<128xi32, #tpu.memory_space<vmem>>) semaphore(%arg13 : memref<!tpu.dma_semaphore, #tpu.memory_space<semaphore_mem>>)
      %dma_start3A_190 = arith.constant 3 : i32
      %dma_start3A_191 = arith.constant 3 : i32
      %dma_start3A_192 = arith.constant 0 : i32
      %dma_start3A_193 = arith.constant 0 : i32
      %dma_start3A_194 = tpu.memref_slice %arg8[%dma_start3A_191, %dma_start3A_192, %dma_start3A_193] : memref<8x128x32xf32, #tpu.memory_space<vmem>> -> memref<1x128x32xf32, #tpu.memory_space<vmem>>
      %dma_start3A_195 = tpu.memref_squeeze %dma_start3A_194 : memref<1x128x32xf32, #tpu.memory_space<vmem>> -> memref<128x32xf32, #tpu.memory_space<vmem>>
      %dma_start3A_196 = arith.constant 0 : i32
      %dma_start3A_197 = tpu.memref_slice %arg6[%dma_start3A_190, %dma_start3A_196] : memref<8x128xi32, #tpu.memory_space<vmem>> -> memref<1x128xi32, #tpu.memory_space<vmem>>
      %dma_start3A_198 = tpu.memref_squeeze %dma_start3A_197 : memref<1x128xi32, #tpu.memory_space<vmem>> -> memref<128xi32, #tpu.memory_space<vmem>>
      %dma_start3A_199 = arith.constant 0 : i32
      %dma_start3A_200 = arith.constant 0 : i32
      %dma_start3A_201 = tpu.memref_slice %arg2[%dma_start3A_199, %dma_start3A_200] : memref<1000000x32xf32, #tpu.memory_space<hbm>> -> memref<1000000x32xf32, #tpu.memory_space<hbm>>
      tpu.enqueue_indirect_dma source(%dma_start3A_201 : memref<1000000x32xf32, #tpu.memory_space<hbm>>) target(%dma_start3A_195 : memref<128x32xf32, #tpu.memory_space<vmem>>) offsets(%dma_start3A_198 : memref<128xi32, #tpu.memory_space<vmem>>) semaphore(%arg13 : memref<!tpu.dma_semaphore, #tpu.memory_space<semaphore_mem>>)
      %dma_start3A_202 = arith.constant 4 : i32
      %dma_start3A_203 = arith.constant 4 : i32
      %dma_start3A_204 = arith.constant 0 : i32
      %dma_start3A_205 = arith.constant 0 : i32
      %dma_start3A_206 = tpu.memref_slice %arg8[%dma_start3A_203, %dma_start3A_204, %dma_start3A_205] : memref<8x128x32xf32, #tpu.memory_space<vmem>> -> memref<1x128x32xf32, #tpu.memory_space<vmem>>
      %dma_start3A_207 = tpu.memref_squeeze %dma_start3A_206 : memref<1x128x32xf32, #tpu.memory_space<vmem>> -> memref<128x32xf32, #tpu.memory_space<vmem>>
      %dma_start3A_208 = arith.constant 0 : i32
      %dma_start3A_209 = tpu.memref_slice %arg6[%dma_start3A_202, %dma_start3A_208] : memref<8x128xi32, #tpu.memory_space<vmem>> -> memref<1x128xi32, #tpu.memory_space<vmem>>
      %dma_start3A_210 = tpu.memref_squeeze %dma_start3A_209 : memref<1x128xi32, #tpu.memory_space<vmem>> -> memref<128xi32, #tpu.memory_space<vmem>>
      %dma_start3A_211 = arith.constant 0 : i32
      %dma_start3A_212 = arith.constant 0 : i32
      %dma_start3A_213 = tpu.memref_slice %arg2[%dma_start3A_211, %dma_start3A_212] : memref<1000000x32xf32, #tpu.memory_space<hbm>> -> memref<1000000x32xf32, #tpu.memory_space<hbm>>
      tpu.enqueue_indirect_dma source(%dma_start3A_213 : memref<1000000x32xf32, #tpu.memory_space<hbm>>) target(%dma_start3A_207 : memref<128x32xf32, #tpu.memory_space<vmem>>) offsets(%dma_start3A_210 : memref<128xi32, #tpu.memory_space<vmem>>) semaphore(%arg13 : memref<!tpu.dma_semaphore, #tpu.memory_space<semaphore_mem>>)
      %dma_start3A_214 = arith.constant 5 : i32
      %dma_start3A_215 = arith.constant 5 : i32
      %dma_start3A_216 = arith.constant 0 : i32
      %dma_start3A_217 = arith.constant 0 : i32
      %dma_start3A_218 = tpu.memref_slice %arg8[%dma_start3A_215, %dma_start3A_216, %dma_start3A_217] : memref<8x128x32xf32, #tpu.memory_space<vmem>> -> memref<1x128x32xf32, #tpu.memory_space<vmem>>
      %dma_start3A_219 = tpu.memref_squeeze %dma_start3A_218 : memref<1x128x32xf32, #tpu.memory_space<vmem>> -> memref<128x32xf32, #tpu.memory_space<vmem>>
      %dma_start3A_220 = arith.constant 0 : i32
      %dma_start3A_221 = tpu.memref_slice %arg6[%dma_start3A_214, %dma_start3A_220] : memref<8x128xi32, #tpu.memory_space<vmem>> -> memref<1x128xi32, #tpu.memory_space<vmem>>
      %dma_start3A_222 = tpu.memref_squeeze %dma_start3A_221 : memref<1x128xi32, #tpu.memory_space<vmem>> -> memref<128xi32, #tpu.memory_space<vmem>>
      %dma_start3A_223 = arith.constant 0 : i32
      %dma_start3A_224 = arith.constant 0 : i32
      %dma_start3A_225 = tpu.memref_slice %arg2[%dma_start3A_223, %dma_start3A_224] : memref<1000000x32xf32, #tpu.memory_space<hbm>> -> memref<1000000x32xf32, #tpu.memory_space<hbm>>
      tpu.enqueue_indirect_dma source(%dma_start3A_225 : memref<1000000x32xf32, #tpu.memory_space<hbm>>) target(%dma_start3A_219 : memref<128x32xf32, #tpu.memory_space<vmem>>) offsets(%dma_start3A_222 : memref<128xi32, #tpu.memory_space<vmem>>) semaphore(%arg13 : memref<!tpu.dma_semaphore, #tpu.memory_space<semaphore_mem>>)
      %dma_start3A_226 = arith.constant 6 : i32
      %dma_start3A_227 = arith.constant 6 : i32
      %dma_start3A_228 = arith.constant 0 : i32
      %dma_start3A_229 = arith.constant 0 : i32
      %dma_start3A_230 = tpu.memref_slice %arg8[%dma_start3A_227, %dma_start3A_228, %dma_start3A_229] : memref<8x128x32xf32, #tpu.memory_space<vmem>> -> memref<1x128x32xf32, #tpu.memory_space<vmem>>
      %dma_start3A_231 = tpu.memref_squeeze %dma_start3A_230 : memref<1x128x32xf32, #tpu.memory_space<vmem>> -> memref<128x32xf32, #tpu.memory_space<vmem>>
      %dma_start3A_232 = arith.constant 0 : i32
      %dma_start3A_233 = tpu.memref_slice %arg6[%dma_start3A_226, %dma_start3A_232] : memref<8x128xi32, #tpu.memory_space<vmem>> -> memref<1x128xi32, #tpu.memory_space<vmem>>
      %dma_start3A_234 = tpu.memref_squeeze %dma_start3A_233 : memref<1x128xi32, #tpu.memory_space<vmem>> -> memref<128xi32, #tpu.memory_space<vmem>>
      %dma_start3A_235 = arith.constant 0 : i32
      %dma_start3A_236 = arith.constant 0 : i32
      %dma_start3A_237 = tpu.memref_slice %arg2[%dma_start3A_235, %dma_start3A_236] : memref<1000000x32xf32, #tpu.memory_space<hbm>> -> memref<1000000x32xf32, #tpu.memory_space<hbm>>
      tpu.enqueue_indirect_dma source(%dma_start3A_237 : memref<1000000x32xf32, #tpu.memory_space<hbm>>) target(%dma_start3A_231 : memref<128x32xf32, #tpu.memory_space<vmem>>) offsets(%dma_start3A_234 : memref<128xi32, #tpu.memory_space<vmem>>) semaphore(%arg13 : memref<!tpu.dma_semaphore, #tpu.memory_space<semaphore_mem>>)
      %dma_start3A_238 = arith.constant 7 : i32
      %dma_start3A_239 = arith.constant 7 : i32
      %dma_start3A_240 = arith.constant 0 : i32
      %dma_start3A_241 = arith.constant 0 : i32
      %dma_start3A_242 = tpu.memref_slice %arg8[%dma_start3A_239, %dma_start3A_240, %dma_start3A_241] : memref<8x128x32xf32, #tpu.memory_space<vmem>> -> memref<1x128x32xf32, #tpu.memory_space<vmem>>
      %dma_start3A_243 = tpu.memref_squeeze %dma_start3A_242 : memref<1x128x32xf32, #tpu.memory_space<vmem>> -> memref<128x32xf32, #tpu.memory_space<vmem>>
      %dma_start3A_244 = arith.constant 0 : i32
      %dma_start3A_245 = tpu.memref_slice %arg6[%dma_start3A_238, %dma_start3A_244] : memref<8x128xi32, #tpu.memory_space<vmem>> -> memref<1x128xi32, #tpu.memory_space<vmem>>
      %dma_start3A_246 = tpu.memref_squeeze %dma_start3A_245 : memref<1x128xi32, #tpu.memory_space<vmem>> -> memref<128xi32, #tpu.memory_space<vmem>>
      %dma_start3A_247 = arith.constant 0 : i32
      %dma_start3A_248 = arith.constant 0 : i32
      %dma_start3A_249 = tpu.memref_slice %arg2[%dma_start3A_247, %dma_start3A_248] : memref<1000000x32xf32, #tpu.memory_space<hbm>> -> memref<1000000x32xf32, #tpu.memory_space<hbm>>
      tpu.enqueue_indirect_dma source(%dma_start3A_249 : memref<1000000x32xf32, #tpu.memory_space<hbm>>) target(%dma_start3A_243 : memref<128x32xf32, #tpu.memory_space<vmem>>) offsets(%dma_start3A_246 : memref<128xi32, #tpu.memory_space<vmem>>) semaphore(%arg13 : memref<!tpu.dma_semaphore, #tpu.memory_space<semaphore_mem>>)
      tpu.wait_dma2 semaphore(%arg12 : memref<!tpu.dma_semaphore, #tpu.memory_space<semaphore_mem>>) src(%arg9 : memref<8x128x32xf32, #tpu.memory_space<hbm>>) dst(%arg7 : memref<8x128x32xf32, #tpu.memory_space<vmem>>)
      %add3A_250 = arith.constant 2 : i32
      %add3A_251 = arith.addi %mul3A_141, %add3A_250 : i32
      %dma_start3A_252 = arith.constant 0 : i32
      %dma_start3A_253 = arith.constant 0 : i32
      %dma_start3A_254 = tpu.memref_slice %arg3[%add3A_251, %add3A, %dma_start3A_252, %dma_start3A_253] : memref<25x32x8x128xi32, #tpu.memory_space<hbm>> -> memref<1x1x8x128xi32, #tpu.memory_space<hbm>>
      %dma_start3A_255 = tpu.memref_squeeze %dma_start3A_254 : memref<1x1x8x128xi32, #tpu.memory_space<hbm>> -> memref<8x128xi32, #tpu.memory_space<hbm>>
      %dma_start3A_256 = arith.constant 0 : i32
      %dma_start3A_257 = arith.constant 0 : i32
      %dma_start3A_258 = tpu.memref_slice %arg3[%add3A_251, %add3A, %dma_start3A_256, %dma_start3A_257] : memref<25x32x8x128xi32, #tpu.memory_space<hbm>> -> memref<1x1x8x128xi32, #tpu.memory_space<hbm>>
      %dma_start3A_259 = tpu.memref_squeeze %dma_start3A_258 : memref<1x1x8x128xi32, #tpu.memory_space<hbm>> -> memref<8x128xi32, #tpu.memory_space<hbm>>
      tpu.enqueue_dma source(%dma_start3A_259 : memref<8x128xi32, #tpu.memory_space<hbm>>) target(%arg5 : memref<8x128xi32, #tpu.memory_space<vmem>>) target_semaphore(%arg10 : memref<!tpu.dma_semaphore, #tpu.memory_space<semaphore_mem>>)
      %dma_start3A_260 = arith.constant 0 : i32
      %dma_start3A_261 = arith.constant 0 : i32
      %dma_start3A_262 = arith.constant 0 : i32
      %dma_start3A_263 = tpu.memref_slice %arg4[%mul3A_141, %add3A, %dma_start3A_260, %dma_start3A_261, %dma_start3A_262] : memref<25x32x8x128x32xf32, #tpu.memory_space<hbm>> -> memref<1x1x8x128x32xf32, #tpu.memory_space<hbm>>
      %dma_start3A_264 = tpu.memref_squeeze %dma_start3A_263 : memref<1x1x8x128x32xf32, #tpu.memory_space<hbm>> -> memref<8x128x32xf32, #tpu.memory_space<hbm>>
      %dma_start3A_265 = arith.constant 0 : i32
      %dma_start3A_266 = arith.constant 0 : i32
      %dma_start3A_267 = arith.constant 0 : i32
      %dma_start3A_268 = tpu.memref_slice %arg4[%mul3A_141, %add3A, %dma_start3A_265, %dma_start3A_266, %dma_start3A_267] : memref<25x32x8x128x32xf32, #tpu.memory_space<hbm>> -> memref<1x1x8x128x32xf32, #tpu.memory_space<hbm>>
      %dma_start3A_269 = tpu.memref_squeeze %dma_start3A_268 : memref<1x1x8x128x32xf32, #tpu.memory_space<hbm>> -> memref<8x128x32xf32, #tpu.memory_space<hbm>>
      tpu.enqueue_dma source(%arg7 : memref<8x128x32xf32, #tpu.memory_space<vmem>>) target(%dma_start3A_269 : memref<8x128x32xf32, #tpu.memory_space<hbm>>) target_semaphore(%arg14 : memref<!tpu.dma_semaphore, #tpu.memory_space<semaphore_mem>>)
      %dma_wait3A_270 = arith.constant 0 : i32
      %dma_wait3A_271 = arith.constant 0 : i32
      %dma_wait3A_272 = arith.constant 0 : i32
      %dma_wait3A_273 = arith.constant 0 : i32
      %dma_wait3A_274 = tpu.memref_slice %arg3[%dma_wait3A_270, %dma_wait3A_271, %dma_wait3A_272, %dma_wait3A_273] : memref<25x32x8x128xi32, #tpu.memory_space<hbm>> -> memref<1x1x8x128xi32, #tpu.memory_space<hbm>>
      %dma_wait3A_275 = tpu.memref_squeeze %dma_wait3A_274 : memref<1x1x8x128xi32, #tpu.memory_space<hbm>> -> memref<8x128xi32, #tpu.memory_space<hbm>>
      %dma_wait3A_276 = arith.constant 0 : i32
      %dma_wait3A_277 = arith.constant 0 : i32
      %dma_wait3A_278 = tpu.memref_slice %arg3[%dma_wait3A_270, %dma_wait3A_271, %dma_wait3A_276, %dma_wait3A_277] : memref<25x32x8x128xi32, #tpu.memory_space<hbm>> -> memref<1x1x8x128xi32, #tpu.memory_space<hbm>>
      %dma_wait3A_279 = tpu.memref_squeeze %dma_wait3A_278 : memref<1x1x8x128xi32, #tpu.memory_space<hbm>> -> memref<8x128xi32, #tpu.memory_space<hbm>>
      tpu.wait_dma2 semaphore(%arg10 : memref<!tpu.dma_semaphore, #tpu.memory_space<semaphore_mem>>) src(%dma_wait3A_279 : memref<8x128xi32, #tpu.memory_space<hbm>>) dst(%arg5 : memref<8x128xi32, #tpu.memory_space<vmem>>)
      tpu.wait_dma2 semaphore(%arg14 : memref<!tpu.dma_semaphore, #tpu.memory_space<semaphore_mem>>) src(%arg9 : memref<8x128x32xf32, #tpu.memory_space<hbm>>) dst(%arg7 : memref<8x128x32xf32, #tpu.memory_space<vmem>>)
      %dma_start3A_280 = arith.constant 0 : i32
      %dma_start3A_281 = arith.constant 0 : i32
      %dma_start3A_282 = arith.constant 0 : i32
      %dma_start3A_283 = arith.constant 0 : i32
      %dma_start3A_284 = tpu.memref_slice %arg7[%dma_start3A_281, %dma_start3A_282, %dma_start3A_283] : memref<8x128x32xf32, #tpu.memory_space<vmem>> -> memref<1x128x32xf32, #tpu.memory_space<vmem>>
      %dma_start3A_285 = tpu.memref_squeeze %dma_start3A_284 : memref<1x128x32xf32, #tpu.memory_space<vmem>> -> memref<128x32xf32, #tpu.memory_space<vmem>>
      %dma_start3A_286 = arith.constant 0 : i32
      %dma_start3A_287 = tpu.memref_slice %arg5[%dma_start3A_280, %dma_start3A_286] : memref<8x128xi32, #tpu.memory_space<vmem>> -> memref<1x128xi32, #tpu.memory_space<vmem>>
      %dma_start3A_288 = tpu.memref_squeeze %dma_start3A_287 : memref<1x128xi32, #tpu.memory_space<vmem>> -> memref<128xi32, #tpu.memory_space<vmem>>
      %dma_start3A_289 = arith.constant 0 : i32
      %dma_start3A_290 = arith.constant 0 : i32
      %dma_start3A_291 = tpu.memref_slice %arg2[%dma_start3A_289, %dma_start3A_290] : memref<1000000x32xf32, #tpu.memory_space<hbm>> -> memref<1000000x32xf32, #tpu.memory_space<hbm>>
      tpu.enqueue_indirect_dma source(%dma_start3A_291 : memref<1000000x32xf32, #tpu.memory_space<hbm>>) target(%dma_start3A_285 : memref<128x32xf32, #tpu.memory_space<vmem>>) offsets(%dma_start3A_288 : memref<128xi32, #tpu.memory_space<vmem>>) semaphore(%arg12 : memref<!tpu.dma_semaphore, #tpu.memory_space<semaphore_mem>>)
      %dma_start3A_292 = arith.constant 1 : i32
      %dma_start3A_293 = arith.constant 1 : i32
      %dma_start3A_294 = arith.constant 0 : i32
      %dma_start3A_295 = arith.constant 0 : i32
      %dma_start3A_296 = tpu.memref_slice %arg7[%dma_start3A_293, %dma_start3A_294, %dma_start3A_295] : memref<8x128x32xf32, #tpu.memory_space<vmem>> -> memref<1x128x32xf32, #tpu.memory_space<vmem>>
      %dma_start3A_297 = tpu.memref_squeeze %dma_start3A_296 : memref<1x128x32xf32, #tpu.memory_space<vmem>> -> memref<128x32xf32, #tpu.memory_space<vmem>>
      %dma_start3A_298 = arith.constant 0 : i32
      %dma_start3A_299 = tpu.memref_slice %arg5[%dma_start3A_292, %dma_start3A_298] : memref<8x128xi32, #tpu.memory_space<vmem>> -> memref<1x128xi32, #tpu.memory_space<vmem>>
      %dma_start3A_300 = tpu.memref_squeeze %dma_start3A_299 : memref<1x128xi32, #tpu.memory_space<vmem>> -> memref<128xi32, #tpu.memory_space<vmem>>
      %dma_start3A_301 = arith.constant 0 : i32
      %dma_start3A_302 = arith.constant 0 : i32
      %dma_start3A_303 = tpu.memref_slice %arg2[%dma_start3A_301, %dma_start3A_302] : memref<1000000x32xf32, #tpu.memory_space<hbm>> -> memref<1000000x32xf32, #tpu.memory_space<hbm>>
      tpu.enqueue_indirect_dma source(%dma_start3A_303 : memref<1000000x32xf32, #tpu.memory_space<hbm>>) target(%dma_start3A_297 : memref<128x32xf32, #tpu.memory_space<vmem>>) offsets(%dma_start3A_300 : memref<128xi32, #tpu.memory_space<vmem>>) semaphore(%arg12 : memref<!tpu.dma_semaphore, #tpu.memory_space<semaphore_mem>>)
      %dma_start3A_304 = arith.constant 2 : i32
      %dma_start3A_305 = arith.constant 2 : i32
      %dma_start3A_306 = arith.constant 0 : i32
      %dma_start3A_307 = arith.constant 0 : i32
      %dma_start3A_308 = tpu.memref_slice %arg7[%dma_start3A_305, %dma_start3A_306, %dma_start3A_307] : memref<8x128x32xf32, #tpu.memory_space<vmem>> -> memref<1x128x32xf32, #tpu.memory_space<vmem>>
      %dma_start3A_309 = tpu.memref_squeeze %dma_start3A_308 : memref<1x128x32xf32, #tpu.memory_space<vmem>> -> memref<128x32xf32, #tpu.memory_space<vmem>>
      %dma_start3A_310 = arith.constant 0 : i32
      %dma_start3A_311 = tpu.memref_slice %arg5[%dma_start3A_304, %dma_start3A_310] : memref<8x128xi32, #tpu.memory_space<vmem>> -> memref<1x128xi32, #tpu.memory_space<vmem>>
      %dma_start3A_312 = tpu.memref_squeeze %dma_start3A_311 : memref<1x128xi32, #tpu.memory_space<vmem>> -> memref<128xi32, #tpu.memory_space<vmem>>
      %dma_start3A_313 = arith.constant 0 : i32
      %dma_start3A_314 = arith.constant 0 : i32
      %dma_start3A_315 = tpu.memref_slice %arg2[%dma_start3A_313, %dma_start3A_314] : memref<1000000x32xf32, #tpu.memory_space<hbm>> -> memref<1000000x32xf32, #tpu.memory_space<hbm>>
      tpu.enqueue_indirect_dma source(%dma_start3A_315 : memref<1000000x32xf32, #tpu.memory_space<hbm>>) target(%dma_start3A_309 : memref<128x32xf32, #tpu.memory_space<vmem>>) offsets(%dma_start3A_312 : memref<128xi32, #tpu.memory_space<vmem>>) semaphore(%arg12 : memref<!tpu.dma_semaphore, #tpu.memory_space<semaphore_mem>>)
      %dma_start3A_316 = arith.constant 3 : i32
      %dma_start3A_317 = arith.constant 3 : i32
      %dma_start3A_318 = arith.constant 0 : i32
      %dma_start3A_319 = arith.constant 0 : i32
      %dma_start3A_320 = tpu.memref_slice %arg7[%dma_start3A_317, %dma_start3A_318, %dma_start3A_319] : memref<8x128x32xf32, #tpu.memory_space<vmem>> -> memref<1x128x32xf32, #tpu.memory_space<vmem>>
      %dma_start3A_321 = tpu.memref_squeeze %dma_start3A_320 : memref<1x128x32xf32, #tpu.memory_space<vmem>> -> memref<128x32xf32, #tpu.memory_space<vmem>>
      %dma_start3A_322 = arith.constant 0 : i32
      %dma_start3A_323 = tpu.memref_slice %arg5[%dma_start3A_316, %dma_start3A_322] : memref<8x128xi32, #tpu.memory_space<vmem>> -> memref<1x128xi32, #tpu.memory_space<vmem>>
      %dma_start3A_324 = tpu.memref_squeeze %dma_start3A_323 : memref<1x128xi32, #tpu.memory_space<vmem>> -> memref<128xi32, #tpu.memory_space<vmem>>
      %dma_start3A_325 = arith.constant 0 : i32
      %dma_start3A_326 = arith.constant 0 : i32
      %dma_start3A_327 = tpu.memref_slice %arg2[%dma_start3A_325, %dma_start3A_326] : memref<1000000x32xf32, #tpu.memory_space<hbm>> -> memref<1000000x32xf32, #tpu.memory_space<hbm>>
      tpu.enqueue_indirect_dma source(%dma_start3A_327 : memref<1000000x32xf32, #tpu.memory_space<hbm>>) target(%dma_start3A_321 : memref<128x32xf32, #tpu.memory_space<vmem>>) offsets(%dma_start3A_324 : memref<128xi32, #tpu.memory_space<vmem>>) semaphore(%arg12 : memref<!tpu.dma_semaphore, #tpu.memory_space<semaphore_mem>>)
      %dma_start3A_328 = arith.constant 4 : i32
      %dma_start3A_329 = arith.constant 4 : i32
      %dma_start3A_330 = arith.constant 0 : i32
      %dma_start3A_331 = arith.constant 0 : i32
      %dma_start3A_332 = tpu.memref_slice %arg7[%dma_start3A_329, %dma_start3A_330, %dma_start3A_331] : memref<8x128x32xf32, #tpu.memory_space<vmem>> -> memref<1x128x32xf32, #tpu.memory_space<vmem>>
      %dma_start3A_333 = tpu.memref_squeeze %dma_start3A_332 : memref<1x128x32xf32, #tpu.memory_space<vmem>> -> memref<128x32xf32, #tpu.memory_space<vmem>>
      %dma_start3A_334 = arith.constant 0 : i32
      %dma_start3A_335 = tpu.memref_slice %arg5[%dma_start3A_328, %dma_start3A_334] : memref<8x128xi32, #tpu.memory_space<vmem>> -> memref<1x128xi32, #tpu.memory_space<vmem>>
      %dma_start3A_336 = tpu.memref_squeeze %dma_start3A_335 : memref<1x128xi32, #tpu.memory_space<vmem>> -> memref<128xi32, #tpu.memory_space<vmem>>
      %dma_start3A_337 = arith.constant 0 : i32
      %dma_start3A_338 = arith.constant 0 : i32
      %dma_start3A_339 = tpu.memref_slice %arg2[%dma_start3A_337, %dma_start3A_338] : memref<1000000x32xf32, #tpu.memory_space<hbm>> -> memref<1000000x32xf32, #tpu.memory_space<hbm>>
      tpu.enqueue_indirect_dma source(%dma_start3A_339 : memref<1000000x32xf32, #tpu.memory_space<hbm>>) target(%dma_start3A_333 : memref<128x32xf32, #tpu.memory_space<vmem>>) offsets(%dma_start3A_336 : memref<128xi32, #tpu.memory_space<vmem>>) semaphore(%arg12 : memref<!tpu.dma_semaphore, #tpu.memory_space<semaphore_mem>>)
      %dma_start3A_340 = arith.constant 5 : i32
      %dma_start3A_341 = arith.constant 5 : i32
      %dma_start3A_342 = arith.constant 0 : i32
      %dma_start3A_343 = arith.constant 0 : i32
      %dma_start3A_344 = tpu.memref_slice %arg7[%dma_start3A_341, %dma_start3A_342, %dma_start3A_343] : memref<8x128x32xf32, #tpu.memory_space<vmem>> -> memref<1x128x32xf32, #tpu.memory_space<vmem>>
      %dma_start3A_345 = tpu.memref_squeeze %dma_start3A_344 : memref<1x128x32xf32, #tpu.memory_space<vmem>> -> memref<128x32xf32, #tpu.memory_space<vmem>>
      %dma_start3A_346 = arith.constant 0 : i32
      %dma_start3A_347 = tpu.memref_slice %arg5[%dma_start3A_340, %dma_start3A_346] : memref<8x128xi32, #tpu.memory_space<vmem>> -> memref<1x128xi32, #tpu.memory_space<vmem>>
      %dma_start3A_348 = tpu.memref_squeeze %dma_start3A_347 : memref<1x128xi32, #tpu.memory_space<vmem>> -> memref<128xi32, #tpu.memory_space<vmem>>
      %dma_start3A_349 = arith.constant 0 : i32
      %dma_start3A_350 = arith.constant 0 : i32
      %dma_start3A_351 = tpu.memref_slice %arg2[%dma_start3A_349, %dma_start3A_350] : memref<1000000x32xf32, #tpu.memory_space<hbm>> -> memref<1000000x32xf32, #tpu.memory_space<hbm>>
      tpu.enqueue_indirect_dma source(%dma_start3A_351 : memref<1000000x32xf32, #tpu.memory_space<hbm>>) target(%dma_start3A_345 : memref<128x32xf32, #tpu.memory_space<vmem>>) offsets(%dma_start3A_348 : memref<128xi32, #tpu.memory_space<vmem>>) semaphore(%arg12 : memref<!tpu.dma_semaphore, #tpu.memory_space<semaphore_mem>>)
      %dma_start3A_352 = arith.constant 6 : i32
      %dma_start3A_353 = arith.constant 6 : i32
      %dma_start3A_354 = arith.constant 0 : i32
      %dma_start3A_355 = arith.constant 0 : i32
      %dma_start3A_356 = tpu.memref_slice %arg7[%dma_start3A_353, %dma_start3A_354, %dma_start3A_355] : memref<8x128x32xf32, #tpu.memory_space<vmem>> -> memref<1x128x32xf32, #tpu.memory_space<vmem>>
      %dma_start3A_357 = tpu.memref_squeeze %dma_start3A_356 : memref<1x128x32xf32, #tpu.memory_space<vmem>> -> memref<128x32xf32, #tpu.memory_space<vmem>>
      %dma_start3A_358 = arith.constant 0 : i32
      %dma_start3A_359 = tpu.memref_slice %arg5[%dma_start3A_352, %dma_start3A_358] : memref<8x128xi32, #tpu.memory_space<vmem>> -> memref<1x128xi32, #tpu.memory_space<vmem>>
      %dma_start3A_360 = tpu.memref_squeeze %dma_start3A_359 : memref<1x128xi32, #tpu.memory_space<vmem>> -> memref<128xi32, #tpu.memory_space<vmem>>
      %dma_start3A_361 = arith.constant 0 : i32
      %dma_start3A_362 = arith.constant 0 : i32
      %dma_start3A_363 = tpu.memref_slice %arg2[%dma_start3A_361, %dma_start3A_362] : memref<1000000x32xf32, #tpu.memory_space<hbm>> -> memref<1000000x32xf32, #tpu.memory_space<hbm>>
      tpu.enqueue_indirect_dma source(%dma_start3A_363 : memref<1000000x32xf32, #tpu.memory_space<hbm>>) target(%dma_start3A_357 : memref<128x32xf32, #tpu.memory_space<vmem>>) offsets(%dma_start3A_360 : memref<128xi32, #tpu.memory_space<vmem>>) semaphore(%arg12 : memref<!tpu.dma_semaphore, #tpu.memory_space<semaphore_mem>>)
      %dma_start3A_364 = arith.constant 7 : i32
      %dma_start3A_365 = arith.constant 7 : i32
      %dma_start3A_366 = arith.constant 0 : i32
      %dma_start3A_367 = arith.constant 0 : i32
      %dma_start3A_368 = tpu.memref_slice %arg7[%dma_start3A_365, %dma_start3A_366, %dma_start3A_367] : memref<8x128x32xf32, #tpu.memory_space<vmem>> -> memref<1x128x32xf32, #tpu.memory_space<vmem>>
      %dma_start3A_369 = tpu.memref_squeeze %dma_start3A_368 : memref<1x128x32xf32, #tpu.memory_space<vmem>> -> memref<128x32xf32, #tpu.memory_space<vmem>>
      %dma_start3A_370 = arith.constant 0 : i32
      %dma_start3A_371 = tpu.memref_slice %arg5[%dma_start3A_364, %dma_start3A_370] : memref<8x128xi32, #tpu.memory_space<vmem>> -> memref<1x128xi32, #tpu.memory_space<vmem>>
      %dma_start3A_372 = tpu.memref_squeeze %dma_start3A_371 : memref<1x128xi32, #tpu.memory_space<vmem>> -> memref<128xi32, #tpu.memory_space<vmem>>
      %dma_start3A_373 = arith.constant 0 : i32
      %dma_start3A_374 = arith.constant 0 : i32
      %dma_start3A_375 = tpu.memref_slice %arg2[%dma_start3A_373, %dma_start3A_374] : memref<1000000x32xf32, #tpu.memory_space<hbm>> -> memref<1000000x32xf32, #tpu.memory_space<hbm>>
      tpu.enqueue_indirect_dma source(%dma_start3A_375 : memref<1000000x32xf32, #tpu.memory_space<hbm>>) target(%dma_start3A_369 : memref<128x32xf32, #tpu.memory_space<vmem>>) offsets(%dma_start3A_372 : memref<128xi32, #tpu.memory_space<vmem>>) semaphore(%arg12 : memref<!tpu.dma_semaphore, #tpu.memory_space<semaphore_mem>>)
      tpu.wait_dma2 semaphore(%arg13 : memref<!tpu.dma_semaphore, #tpu.memory_space<semaphore_mem>>) src(%arg9 : memref<8x128x32xf32, #tpu.memory_space<hbm>>) dst(%arg8 : memref<8x128x32xf32, #tpu.memory_space<vmem>>)
      %add3A_376 = arith.constant 3 : i32
      %add3A_377 = arith.addi %mul3A_141, %add3A_376 : i32
      %lt3A = arith.constant 25 : i32
      %lt3A_378 = arith.cmpi slt, %add3A_377, %lt3A : i32
      %convert_element_type3A_379 = arith.extui %lt3A_378 : i1 to i32
      %cond3A_380 = arith.constant 0 : i32
      %cond3A_381 = arith.cmpi ne, %convert_element_type3A_379, %cond3A_380 : i32
      scf.if %cond3A_381 {
        %add3A_394 = arith.constant 3 : i32
        %add3A_395 = arith.addi %mul3A_141, %add3A_394 : i32
        %dma_start3A_396 = arith.constant 0 : i32
        %dma_start3A_397 = arith.constant 0 : i32
        %dma_start3A_398 = tpu.memref_slice %arg3[%add3A_395, %add3A, %dma_start3A_396, %dma_start3A_397] : memref<25x32x8x128xi32, #tpu.memory_space<hbm>> -> memref<1x1x8x128xi32, #tpu.memory_space<hbm>>
        %dma_start3A_399 = tpu.memref_squeeze %dma_start3A_398 : memref<1x1x8x128xi32, #tpu.memory_space<hbm>> -> memref<8x128xi32, #tpu.memory_space<hbm>>
        %dma_start3A_400 = arith.constant 0 : i32
        %dma_start3A_401 = arith.constant 0 : i32
        %dma_start3A_402 = tpu.memref_slice %arg3[%add3A_395, %add3A, %dma_start3A_400, %dma_start3A_401] : memref<25x32x8x128xi32, #tpu.memory_space<hbm>> -> memref<1x1x8x128xi32, #tpu.memory_space<hbm>>
        %dma_start3A_403 = tpu.memref_squeeze %dma_start3A_402 : memref<1x1x8x128xi32, #tpu.memory_space<hbm>> -> memref<8x128xi32, #tpu.memory_space<hbm>>
        tpu.enqueue_dma source(%dma_start3A_403 : memref<8x128xi32, #tpu.memory_space<hbm>>) target(%arg6 : memref<8x128xi32, #tpu.memory_space<vmem>>) target_semaphore(%arg11 : memref<!tpu.dma_semaphore, #tpu.memory_space<semaphore_mem>>)
      } else {
      }
      %add3A_382 = arith.constant 1 : i32
      %add3A_383 = arith.addi %mul3A_141, %add3A_382 : i32
      %dma_start3A_384 = arith.constant 0 : i32
      %dma_start3A_385 = arith.constant 0 : i32
      %dma_start3A_386 = arith.constant 0 : i32
      %dma_start3A_387 = tpu.memref_slice %arg4[%add3A_383, %add3A, %dma_start3A_384, %dma_start3A_385, %dma_start3A_386] : memref<25x32x8x128x32xf32, #tpu.memory_space<hbm>> -> memref<1x1x8x128x32xf32, #tpu.memory_space<hbm>>
      %dma_start3A_388 = tpu.memref_squeeze %dma_start3A_387 : memref<1x1x8x128x32xf32, #tpu.memory_space<hbm>> -> memref<8x128x32xf32, #tpu.memory_space<hbm>>
      %dma_start3A_389 = arith.constant 0 : i32
      %dma_start3A_390 = arith.constant 0 : i32
      %dma_start3A_391 = arith.constant 0 : i32
      %dma_start3A_392 = tpu.memref_slice %arg4[%add3A_383, %add3A, %dma_start3A_389, %dma_start3A_390, %dma_start3A_391] : memref<25x32x8x128x32xf32, #tpu.memory_space<hbm>> -> memref<1x1x8x128x32xf32, #tpu.memory_space<hbm>>
      %dma_start3A_393 = tpu.memref_squeeze %dma_start3A_392 : memref<1x1x8x128x32xf32, #tpu.memory_space<hbm>> -> memref<8x128x32xf32, #tpu.memory_space<hbm>>
      tpu.enqueue_dma source(%arg8 : memref<8x128x32xf32, #tpu.memory_space<vmem>>) target(%dma_start3A_393 : memref<8x128x32xf32, #tpu.memory_space<hbm>>) target_semaphore(%arg15 : memref<!tpu.dma_semaphore, #tpu.memory_space<semaphore_mem>>)
    }
    %scan3A_127 = arith.constant 12 : i32
    tpu.wait_dma2 semaphore(%arg12 : memref<!tpu.dma_semaphore, #tpu.memory_space<semaphore_mem>>) src(%arg9 : memref<8x128x32xf32, #tpu.memory_space<hbm>>) dst(%arg7 : memref<8x128x32xf32, #tpu.memory_space<vmem>>)
    tpu.wait_dma2 semaphore(%arg15 : memref<!tpu.dma_semaphore, #tpu.memory_space<semaphore_mem>>) src(%arg9 : memref<8x128x32xf32, #tpu.memory_space<hbm>>) dst(%arg8 : memref<8x128x32xf32, #tpu.memory_space<vmem>>)
    %dma_start3A_128 = arith.constant 24 : i32
    %dma_start3A_129 = arith.constant 0 : i32
    %dma_start3A_130 = arith.constant 0 : i32
    %dma_start3A_131 = arith.constant 0 : i32
    %dma_start3A_132 = tpu.memref_slice %arg4[%dma_start3A_128, %add3A, %dma_start3A_129, %dma_start3A_130, %dma_start3A_131] : memref<25x32x8x128x32xf32, #tpu.memory_space<hbm>> -> memref<1x1x8x128x32xf32, #tpu.memory_space<hbm>>
    %dma_start3A_133 = tpu.memref_squeeze %dma_start3A_132 : memref<1x1x8x128x32xf32, #tpu.memory_space<hbm>> -> memref<8x128x32xf32, #tpu.memory_space<hbm>>
    %dma_start3A_134 = arith.constant 0 : i32
    %dma_start3A_135 = arith.constant 0 : i32
    %dma_start3A_136 = arith.constant 0 : i32
    %dma_start3A_137 = tpu.memref_slice %arg4[%dma_start3A_128, %add3A, %dma_start3A_134, %dma_start3A_135, %dma_start3A_136] : memref<25x32x8x128x32xf32, #tpu.memory_space<hbm>> -> memref<1x1x8x128x32xf32, #tpu.memory_space<hbm>>
    %dma_start3A_138 = tpu.memref_squeeze %dma_start3A_137 : memref<1x1x8x128x32xf32, #tpu.memory_space<hbm>> -> memref<8x128x32xf32, #tpu.memory_space<hbm>>
    tpu.enqueue_dma source(%arg7 : memref<8x128x32xf32, #tpu.memory_space<vmem>>) target(%dma_start3A_138 : memref<8x128x32xf32, #tpu.memory_space<hbm>>) target_semaphore(%arg14 : memref<!tpu.dma_semaphore, #tpu.memory_space<semaphore_mem>>)
    tpu.wait_dma2 semaphore(%arg14 : memref<!tpu.dma_semaphore, #tpu.memory_space<semaphore_mem>>) src(%arg9 : memref<8x128x32xf32, #tpu.memory_space<hbm>>) dst(%arg7 : memref<8x128x32xf32, #tpu.memory_space<vmem>>)
    return
  }
}

module attributes {stable_mosaic.version = 14 : i64} {
  func.func @_relayout_body(%arg0: i32, %arg1: i32, %arg2: memref<5x1x256x128xf32, #tpu.memory_space<vmem>>, %arg3: memref<40x4x1x8x128xf32, #tpu.memory_space<vmem>>) attributes {dimension_semantics = [#tpu.dimension_semantics<arbitrary>, #tpu.dimension_semantics<arbitrary>], iteration_bounds = array<i64: 32, 5>, scalar_prefetch = 0 : i64, scratch_operands = 0 : i64, tpu.core_type = #tpu.core_type<tc>, window_params = [{transform_indices = @transform_0, window_bounds = array<i64: 5, 1, 256, 128>}, {transform_indices = @transform_1, window_bounds = array<i64: 40, 4, 1, 8, 128>}]} {
    %get3A = arith.constant 0 : index
    %get3A_0 = arith.constant 0 : index
    %get3A_1 = arith.constant 0 : index
    %get3A_2 = arith.constant 0 : index
    %get3A_3 = vector.load %arg2[%get3A, %get3A_0, %get3A_1, %get3A_2] : memref<5x1x256x128xf32, #tpu.memory_space<vmem>>, vector<5x1x256x128xf32>
    %reshape3A = vector.shape_cast %get3A_3 : vector<5x1x256x128xf32> to vector<40x32x4x32xf32>
    %transpose3A = tpu.transpose %reshape3A, [0, 3, 1, 2] : vector<40x32x4x32xf32> -> vector<40x32x32x4xf32>
    %reshape3A_4 = vector.shape_cast %transpose3A : vector<40x32x32x4xf32> to vector<40x4x1x8x128xf32>
    %swap3A = arith.constant 0 : index
    %swap3A_5 = arith.constant 0 : index
    %swap3A_6 = arith.constant 0 : index
    %swap3A_7 = arith.constant 0 : index
    %swap3A_8 = arith.constant 0 : index
    %swap3A_9 = vector.load %arg3[%swap3A, %swap3A_5, %swap3A_6, %swap3A_7, %swap3A_8] : memref<40x4x1x8x128xf32, #tpu.memory_space<vmem>>, vector<40x4x1x8x128xf32>
    tpu.vector_store %arg3[%swap3A, %swap3A_5, %swap3A_6, %swap3A_7, %swap3A_8], %reshape3A_4 {strides = array<i32>} : memref<40x4x1x8x128xf32, #tpu.memory_space<vmem>>, vector<40x4x1x8x128xf32>,
    return
  }
  func.func @transform_0(%arg0: i32, %arg1: i32) -> (i32, i32, i32, i32) {
    %c0_i32 = arith.constant 0 : i32
    %c0_i32_0 = arith.constant 0 : i32
    %c0_i32_1 = arith.constant 0 : i32
    return %arg1, %arg0, %c0_i32, %c0_i32_0 : i32, i32, i32, i32
  }
  func.func @transform_1(%arg0: i32, %arg1: i32) -> (i32, i32, i32, i32, i32) {
    %c0_i32 = arith.constant 0 : i32
    %c0_i32_0 = arith.constant 0 : i32
    %c0_i32_1 = arith.constant 0 : i32
    %c0_i32_2 = arith.constant 0 : i32
    return %arg1, %c0_i32, %arg0, %c0_i32_0, %c0_i32_1 : i32, i32, i32, i32, i32
  }
}

</mosaic_0001>

<sc_bundles>
// kernel: kernel.4.cloned.1.call-start
scs
__scs_entry_jumppad:
0x0: {  	(pc) =	sbr.rel $0x88, $3  }
0x1: {  	(tag) =	ssettag $0x0;
	lr =	simm.s32 $0x1  }
0x2: {  	[smem:$0x3F9F] =	sst lr;
	_ =	strace $0xD0000000  }
0x3: {  	_ = 	snop  }
0x4: {  	_ = 	snop  }
0x5: {  	_ = 	snop  }
0x6: {  	_ = 	snop  }
0x7: {  	_ = 	snop  }
__scs_overlays_trampoline_lowered:
0x8: {  	[smem:$0x3FAE] =	sst s0  }
0x9: {  	[smem:$0x3FAF] =	sst s1  }
0xa: {  	[smem:$0x3FB0] =	sst s2  }
0xb: {  	[smem:$0x3FB1] =	sst s3  }
0xc: {  	[smem:$0x3FB2] =	sst s4  }
0xd: {  	[smem:$0x3FB3] =	sst s5  }
0xe: {  	[smem:$0x3FB4] =	sst s6  }
0xf: {  	[smem:$0x3FB5] =	sst s7  }
0x10: {  	[smem:$0x3FB6] =	sst s8  }
0x11: {  	[smem:$0x3FB7] =	sst s9;
	s0 =	simm.s32 @!p0 $0x0  }
0x12: {  	s1 =	sld [smem:$0x3F9D];
	s0 =	simm.s32 @p0 $0x1  }
0x13: {  	[smem:$0x3FB8] =	sst s0;
	s0 =	simm.s32 @!p1 $0x0  }
0x14: {  	s2 =	sld [smem:$0x3F9C];
	s0 =	simm.s32 @p1 $0x1  }
0x15: {  	[smem:$0x3FB9] =	sst s0;
	s0 =	simm.s32 @!p2 $0x0  }
0x16: {  	s3 =	sld [smem:$0x3FDB];
	s0 =	simm.s32 @p2 $0x1  }
0x17: {  	s4 =	simm.s32 $0x1BF5;
	[smem:$0x3FBB] =	sst s0  }
0x18: {  	s0 =	sld [smem:$0x3F9E];
	_ =	swait.ge [sflag:s4], $0x0  }
0x19: {  	s7 =	sld [smem:$0x3F9F]  }
0x1a: {  	s8 =	sadd.s32 $0xFFFFE003, lr  }
0x1b: {  	s9 =	sadd.s32 $0xFFFFFEF7, lr;
	s5 =	simm.s32 $0xFFFFFFFF;
	p2 =	slt.u32 s8, $0xFFFFF086  }
0x1c: {  	p1 =	slt.u32 s9, $0xF7A;
	s5 =	simm.s32 @!p2 $0x0  }
0x1d: {  	s5 =	simm.s32 @p1 $0x1;
	p0 =	seq.s32 s7, s2  }
0x1e: {  	s7 =	smul.u32 @!p0 $0xF7A, s2;
	p2 =	seq.s32 @!p0 s5, $0x0  }
0x1f: {  	s9 =	smul.u32 $0xF7A, s1;
	s8 =	simm.s32 @!p0 $0x1BF5;
	p2 =	por !p2, p0  }
0x20: {  	[sflag:s8] =	ssyncset.s32 @!p0 $0xFFFFF086;
	s6 =	sadd.s32 @!p0 s3, s7;
	s7 =	simm.s32 @!p0 $0x108  }
0x21: {  	s3 =	sadd.s32 s3, s9;
	s6 =	sadd.s32 @!p0 $0x88, s6;
	s7 =	simm.s32 @p2 $0x1082  }
0x22: {  	[simem:s7], [sflag:s8] =	dma.local @!p0 [hbm:s6], $0xF7A  }
0x23: {  	s9 =	sor.u32 $0xD0000000, s2;
	s6 =	simm.s32 $0x108;
	_ =	swait.ge @!p0 [sflag:s8], $0x0  }
0x24: {  	s3 =	sadd.s32 $0x88, s3;
	s6 =	simm.s32 @!p1 $0x1082;
	[sflag:s4] =	ssyncset.s32 $0xFFFFF086  }
0x25: {  	[simem:s6], [sflag:s4] =	dma.local [hbm:s3], $0xF7A  }
0x26: {  	[smem:$0x3F9F] =	sst s1;
	(tag) =	ssettag s2;
	_ =	strace s9  }
0x27: {  	s1 =	sld [smem:$0x3FAF]  }
0x28: {  	s2 =	sld [smem:$0x3FB0]  }
0x29: {  	s4 =	sld [smem:$0x3FB2]  }
0x2a: {  	p0 =	seq.s32 s5, $0x0;
	s5 =	sld [smem:$0x3FB3]  }
0x2b: {  	s6 =	sld [smem:$0x3FB4]  }
0x2c: {  	s7 =	sld [smem:$0x3FB5]  }
0x2d: {  	s3 =	simm.s32 $0x108;
	s8 =	sld [smem:$0x3FB6]  }
0x2e: {  	s3 =	simm.s32 @!p0 $0x1082;
	s9 =	sld [smem:$0x3FB7]  }
0x2f: {  	lr =	sadd.s32 s0, s3;
	s0 =	sld [smem:$0x3FAE]  }
0x30: {  	s3 =	sld [smem:$0x3FB1]  }
0x31: {  	[smem:$0x3FBA] =	sst s10  }
0x32: {  	s10 =	sld [smem:$0x3FB8];
	_ =	sdelay $0x3  }
0x33: {  	p0 =	seq.s32 s10, $0x1;
	s10 =	sld [smem:$0x3FBA];
	_ =	sdelay $0x3  }
0x34: {  	[smem:$0x3FBA] =	sst s10  }
0x35: {  	s10 =	sld [smem:$0x3FB9];
	_ =	sdelay $0x3  }
0x36: {  	p1 =	seq.s32 s10, $0x1;
	s10 =	sld [smem:$0x3FBA];
	_ =	sdelay $0x3  }
0x37: {  	[smem:$0x3FBA] =	sst s10  }
0x38: {  	s10 =	sld [smem:$0x3FBB]  }
0x39: {  	_ = 	snop;
	(pc) =	sbr.ind lr, $3  }
0x3a: {  	_ = 	snop  }
0x3b: {  	_ = 	snop  }
0x3c: {  	p2 =	seq.s32 s10, $0x1;
	s10 =	sld [smem:$0x3FBA]  }
0x3d: {  	_ =	shalt  }
0x3e: {  	_ =	shalt  }
0x3f: {  	_ =	shalt  }
0x40: {  	_ =	shalt  }
0x41: {  	_ =	shalt  }
0x42: {  	_ =	shalt  }
0x43: {  	_ =	shalt  }
0x44: {  	_ =	shalt  }
0x45: {  	_ =	shalt  }
0x46: {  	_ =	shalt  }
0x47: {  	_ =	shalt  }
0x48: {  	_ =	shalt  }
0x49: {  	_ =	shalt  }
0x4a: {  	_ =	shalt  }
0x4b: {  	_ =	shalt  }
0x4c: {  	_ =	shalt  }
0x4d: {  	_ =	shalt  }
0x4e: {  	_ =	shalt  }
0x4f: {  	_ =	shalt  }
0x50: {  	_ =	shalt  }
0x51: {  	_ =	shalt  }
0x52: {  	_ =	shalt  }
0x53: {  	_ =	shalt  }
0x54: {  	_ =	shalt  }
0x55: {  	_ =	shalt  }
0x56: {  	_ =	shalt  }
0x57: {  	_ =	shalt  }
0x58: {  	_ =	shalt  }
0x59: {  	_ =	shalt  }
0x5a: {  	_ =	shalt  }
0x5b: {  	_ =	shalt  }
0x5c: {  	_ =	shalt  }
0x5d: {  	_ =	shalt  }
0x5e: {  	_ =	shalt  }
0x5f: {  	_ =	shalt  }
0x60: {  	_ =	shalt  }
0x61: {  	_ =	shalt  }
0x62: {  	_ =	shalt  }
0x63: {  	_ =	shalt  }
0x64: {  	_ =	shalt  }
0x65: {  	_ =	shalt  }
0x66: {  	_ =	shalt  }
0x67: {  	_ =	shalt  }
0x68: {  	_ =	shalt  }
0x69: {  	_ =	shalt  }
0x6a: {  	_ =	shalt  }
0x6b: {  	_ =	shalt  }
0x6c: {  	_ =	shalt  }
0x6d: {  	_ =	shalt  }
0x6e: {  	_ =	shalt  }
0x6f: {  	_ =	shalt  }
0x70: {  	_ =	shalt  }
0x71: {  	_ =	shalt  }
0x72: {  	_ =	shalt  }
0x73: {  	_ =	shalt  }
0x74: {  	_ =	shalt  }
0x75: {  	_ =	shalt  }
0x76: {  	_ =	shalt  }
0x77: {  	_ =	shalt  }
0x78: {  	_ =	shalt  }
0x79: {  	_ =	shalt  }
0x7a: {  	_ =	shalt  }
0x7b: {  	_ =	shalt  }
0x7c: {  	_ =	shalt  }
0x7d: {  	_ =	shalt  }
0x7e: {  	_ =	shalt  }
0x7f: {  	_ =	shalt  }
0x80: {  	_ =	shalt  }
0x81: {  	_ =	shalt  }
0x82: {  	_ =	shalt  }
0x83: {  	_ =	shalt  }
0x84: {  	_ =	shalt  }
0x85: {  	_ =	shalt  }
0x86: {  	_ =	shalt  }
0x87: {  	_ =	shalt  }
.Lfunc_end0:
.L_simem_size_0:
called_computation_lowered:
.L_overlay_start_0:
0x88: {  	s2 =	sld [smem:$0x3FD9]  }
0x89: {  	s3 =	sld [smem:$0x3FFE];
	_ =	sdelay $0x1  }
0x8a: {  	s1 =	srdreg.scid  }
0x8b: {  	s0 =	sand.u32 $0x1, s1  }
0x8c: {  	s17 =	sshll.u32 s0, $0xA;
	s2 =	sadd.s32 s3, s2  }
0x8d: {  	s2 =	sadd.s32 s2, s17  }
0x8e: {  	[smem:$0x3FC6] =	sst s2  }
0x8f: {  	_ = 	snop  }
0x90: {  	s2 =	sld [smem:$0x3FC9];
	(tm) =	ssettm $0x1  }
0x91: {  	s18 =	sld [smem:$0x3FFB];
	_ =	sdelay $0x3  }
0x92: {  	_ =	strace s18  }
0x93: {  	s3 =	sld [smem:$0x3FFC];
	_ =	sdelay $0x3  }
0x94: {  	_ =	strace s3  }
0x95: {  	s3 =	sld [smem:$0x3FFD];
	_ =	sdelay $0x3  }
0x96: {  	_ =	strace s3  }
0x97: {  	_ =	strace $0x8FFFFFFF  }
0x98: {  	s19 =	sld [smem:$0x3FDB];
	_ =	sdelay $0x1  }
0x99: {  	s4 =	simm.s32 $_scs_section_size  }
0x9a: {  	s5 =	simm.s32 $_size__tile_overlayer_lowered;
	s6 =	simm.s32 $_tile_overlayer_lowered  }
0x9b: {  	s22 =	simm.s32 $0x1BFF;
	s21 =	sshll.u32 s6, $0x1;
	s3 =	sadd.s32 s4, s19  }
0x9c: {  	s7 =	simm.s32 $0x0;
	s20 =	sshll.u32 s5, $0x1;
	s5 =	sadd.s32 s21, s3  }
0x9d: {  	[timem:s7], [sflag:s22] =	dma.local [hbm:s5], s20  }
0x9e: {  	_ =	swait.ge [sflag:s22], s20  }
0x9f: {  	s4 =	ssub.s32 $0x0, s20;
	[sflag:s22] =	ssyncset.done $0x0  }
0xa0: {  	[sflag:s22] =	ssyncadd.s32 s4;
	_ =	sdelay $0x1  }
0xa1: {  	s23 =	simm.s32 $0x1B8B  }
0xa2: {  	_ =	swait.ge [sflag:s23], $0x1  }
0xa3: {  	[sflag:s23] =	ssyncset.done $0x0  }
0xa4: {  	s25 =	simm.s32 $0x1B8E;
	s24 =	sld [smem:$0x3FFE];
	[sflag:s23] =	ssyncadd.s32 $0xFFFFFFFF  }
0xa5: {  	s26 =	simm.s32 $execute0_lowered;
	[smem:$0x3FD2] =	sst s25  }
0xa6: {  	s5 =	sshll.u32 s26, $0x1;
	_ =	strace $0x80000046;
	[dreg:$0x1] =	wrdreg $0xFFFFFFFF  }
0xa7: {  	s28 =	simm.s32 $_size_execute0_lowered;
	s3 =	sadd.s32 s3, s5;
	[dreg:$0x0] =	wrdreg $0x0  }
0xa8: {  	s5 =	sshll.u32 s28, $0x1;
	[dreg:$0x2] =	wrdreg s3  }
0xa9: {  	[dreg:$0x3] =	wrdreg s5  }
0xaa: {  	[dreg:$0x4] =	wrdreg $0xC0  }
0xab: {  	_ =	task [dreg:s7], $0x5FFFF  }
0xac: {  	[dreg:$0x1] =	wrdreg $0xFFFFFFFF  }
0xad: {  	[dreg:$0x0] =	wrdreg $0x60  }
0xae: {  	[dreg:$0x2] =	wrdreg s24  }
0xaf: {  	[dreg:$0x3] =	wrdreg s2  }
0xb0: {  	[dreg:$0x4] =	wrdreg $0x9  }
0xb1: {  	_ =	task.clear_ibuf [dreg:s7], $0x5FFFF;
	_ =	strace $0x90000046  }
0xb2: {  	s29 =	simm.s32 $0x9;
	_ =	strace $0x80000048  }
0xb3: {  	_ =	swait.ge [sflag:s29], $0x1  }
0xb4: {  	[sflag:s29] =	ssyncadd.s32 $0xFFFFFFFF  }
0xb5: {  	_ =	strace $0x90000048  }
0xb6: {  	_ =	sfence  }
0xb7: {  	s30 =	sld [smem:$0x0];
	_ =	sdelay $0x2  }
0xb8: {  	s31 =	sshll.u32 s1, $0xD;
	s1 =	sshrl.u32 s1, $0x2  }
0xb9: {  	s3 =	sand.u32 $0x4000, s31;
	s1 =	sadd.s32 s1, s30  }
0xba: {  	s0 =	sor.u32 s3, s0;
	s1 =	sshll.u32 s1, $0x11  }
0xbb: {  	s0 =	sor.u32 s1, s0  }
0xbc: {  	s0 =	sadd.s32 $0x8F2B, s0  }
0xbd: {  	[sflag:s0] =	ssyncadd.remote.s32 $0x1  }
0xbe: {  	_ =	sfence.sel $0xFFFF  }
0xbf: {  	[dreg:$0x0] =	wrdreg $0xFFFFFFFF;
	(pc) =	sbr.abs _section_cstart, $3  }
0xc0: {  	[dreg:$0x1] =	wrdreg $0xFFFFFFFF  }
0xc1: {  	_ =	task.clear_ibuf [dreg:s7], $0x2FFFF;
	_ =	strace $0x9FFFFFFF  }
0xc2: {  	(tm) =	ssettm $0x7FFFFFFF  }
0xc3: {  	_ =	shalt  }
tec
execute0_lowered:
.L_overlay_start_1:
0x0: {  	(tag) =	ssettag $0x1  }
0x1: {  	s0 =	rddreg [dreg:$0x0]  }
0x2: {  	s1 =	rddreg [dreg:$0x1];
	s2 =	simm.s32 $0x0;
	s3 =	srdreg.scid  }
0x3: {  	s10 =	stileid.u32;
	[smem:$0x7FF] =	sst s2  }
0x4: {  	s4 =	sand.u32 $0x1, s3;
	s5 =	sshll.u32 s10, $0x1;
	s3 =	sadd.s32 $0xF42800, s0  }
0x5: {  	s7 =	sadd.s32 $0x400, s0;
	s0 =	sadd.s32 $0x20400, s0;
	s22 =	sshll.u32 s10, $0xB  }
0x6: {  	s25 =	sshll.u32 s10, $0xD;
	_ =	strace $0x80000047;
	s5 =	sor.u32 s4, s5  }
0x7: {  	s6 =	ssub.s32 $0x2, s4;
	s9 =	sshll.u32 s5, $0x7;
	s5 =	sshll.u32 s5, $0xC  }
0x8: {  	s23 =	sshll.u32 s4, $0xA;
	s26 =	sadd.s32 s25, s7;
	s17 =	sadd.s32 s7, s5  }
0x9: {  	s4 =	sshll.u32 s4, $0xC;
	s20 =	sadd.s32 s5, s0;
	[dreg:$0x7] =	wrdreg s17  }
0xa: {  	s8 =	sshrl.u32 s6, $0x1;
	s16 =	sadd.s32 s1, s9;
	[dreg:$0xc] =	wrdreg s20  }
0xb: {  	s6 =	ssub.s32 s6, s8;
	s9 =	sadd.s32 $0x1000, s16;
	[dreg:$0x5] =	wrdreg s16  }
0xc: {  	s25 =	simm.s32 $0x4;
	s6 =	smax.u32 s6, $0x1;
	[dreg:$0x6] =	wrdreg s9  }
0xd: {  	s5 =	sor.u32 $0x2C0000, s5;
	s18 =	sadd.s32 $0x2000, s16;
	[dreg:$0x9] =	wrdreg s6  }
0xe: {  	s19 =	sadd.s32 $0x3000, s16;
	s21 =	sadd.s32 $0x18000, s16;
	[dreg:$0xa] =	wrdreg s18  }
0xf: {  	s24 =	sadd.s32 s7, s5;
	s0 =	sadd.s32 s5, s0;
	[dreg:$0xb] =	wrdreg s19  }
0x10: {  	s16 =	simm.s32 $0x1;
	s7 =	simm.s32 $0x8800;
	[dreg:$0xd] =	wrdreg s21  }
0x11: {  	s9 =	sadd.s32 $0x300000, s17;
	[dreg:$0xe] =	wrdreg s24;
	s6 =	sor.u32 s23, s22  }
0x12: {  	[dreg:$0xf] =	wrdreg s0;
	s0 =	sadd.s32 s4, s26;
	s17 =	simm.s32 $0x80  }
0x13: {  	s18 =	simm.s32 $0x800;
	s23 =	simm.s32 $0x3;
	s24 =	simm.s32 $0x5  }
0x14: {  	s26 =	simm.s32 $0x6;
	[dreg:$0x8] =	wrdreg s9;
	s28 =	sor.u32 $0x28000, s6  }
0x15: {  	s6 =	sor.u32 $0x20000, s6;
	s0 =	sadd.s32 $0x40000, s0;
	s5 =	sshrl.u32 s28, $0x3  }
0x16: {  	s30 =	sshrl.u32 s6, $0x3;
	[dreg:$0x10] =	wrdreg s0;
	s29 =	sadd.s32 s5, s1  }
0x17: {  	s0 =	simm.s32 $0x0;
	s31 =	sadd.s32 s30, s1;
	[dreg:$0x3] =	wrdreg s29  }
0x18: {  	s1 =	simm.s32 $0x400;
	s5 =	simm.s32 $0x2;
	[dreg:$0x4] =	wrdreg s31  }
.LBB2_1:
0x19: {  	[dreg:$0x11] =	wrdreg s0  }
0x1a: {  	s28 =	rddreg [dreg:$0x5]  }
0x1b: {  	[tilespmem:s2], [sflag:$0x1] =	stream.linear.gather [hbm4b:s28+s2], $0x400, $0x38;
	[tilespmem:$0x10800] =	vst v63  }
0x1c: {  	_ =	swait.ge [sflag:s16], $0x400  }
0x1d: {  	[sflag:s16] =	ssyncset.done $0x0  }
0x1e: {  	[sflag:s16] =	ssyncadd.s32 $0xFFFFFC00  }
0x1f: {  	[tilespmem:s18], [sflag:$0x3] =	stream.indirect.gather [hbm4b:s3+s17], $0x20, s2, s17, $0xb8;
	[tilespmem:$0x10800] =	vst v63  }
0x20: {  	s6 =	simm.s32 $0x1800  }
0x21: {  	[tilespmem:s6], [sflag:$0x3] =	stream.indirect.gather [hbm4b:s3+s17], $0x20, s17, s17, $0xb8;
	[tilespmem:$0x10800] =	vst v63  }
0x22: {  	s10 =	simm.s32 $0x100;
	s30 =	simm.s32 $0x2800  }
0x23: {  	[tilespmem:s30], [sflag:$0x3] =	stream.indirect.gather [hbm4b:s3+s17], $0x20, s10, s17, $0xb8;
	[tilespmem:$0x10800] =	vst v63  }
0x24: {  	s8 =	simm.s32 $0x180;
	s31 =	simm.s32 $0x3800  }
0x25: {  	[tilespmem:s31], [sflag:$0x3] =	stream.indirect.gather [hbm4b:s3+s17], $0x20, s8, s17, $0xb8;
	[tilespmem:$0x10800] =	vst v63  }
0x26: {  	s9 =	simm.s32 $0x200;
	s4 =	simm.s32 $0x4800  }
0x27: {  	[tilespmem:s4], [sflag:$0x3] =	stream.indirect.gather [hbm4b:s3+s17], $0x20, s9, s17, $0xb8;
	[tilespmem:$0x10800] =	vst v63  }
0x28: {  	s11 =	simm.s32 $0x280;
	s12 =	simm.s32 $0x5800  }
0x29: {  	[tilespmem:s12], [sflag:$0x3] =	stream.indirect.gather [hbm4b:s3+s17], $0x20, s11, s17, $0xb8;
	[tilespmem:$0x10800] =	vst v63  }
0x2a: {  	s13 =	simm.s32 $0x300;
	s14 =	simm.s32 $0x6800  }
0x2b: {  	[tilespmem:s14], [sflag:$0x3] =	stream.indirect.gather [hbm4b:s3+s17], $0x20, s13, s17, $0xb8;
	[tilespmem:$0x10800] =	vst v63  }
0x2c: {  	s15 =	simm.s32 $0x380;
	s19 =	simm.s32 $0x7800  }
0x2d: {  	[tilespmem:s19], [sflag:$0x3] =	stream.indirect.gather [hbm4b:s3+s17], $0x20, s15, s17, $0xb8;
	[tilespmem:$0x10800] =	vst v63  }
0x2e: {  	s28 =	rddreg [dreg:$0x6]  }
0x2f: {  	[tilespmem:s1], [sflag:$0x2] =	stream.linear.gather [hbm4b:s28+s2], $0x400, $0x38;
	[tilespmem:$0x10800] =	vst v63  }
0x30: {  	_ =	swait.ge [sflag:s5], $0x400  }
0x31: {  	[sflag:s5] =	ssyncset.done $0x0  }
0x32: {  	[sflag:s5] =	ssyncadd.s32 $0xFFFFFC00  }
0x33: {  	[tilespmem:s7], [sflag:$0x4] =	stream.indirect.gather [hbm4b:s3+s17], $0x20, s1, s17, $0xb8;
	[tilespmem:$0x10800] =	vst v63  }
0x34: {  	s8 =	simm.s32 $0x480;
	s4 =	simm.s32 $0x9800  }
0x35: {  	[tilespmem:s4], [sflag:$0x4] =	stream.indirect.gather [hbm4b:s3+s17], $0x20, s8, s17, $0xb8;
	[tilespmem:$0x10800] =	vst v63  }
0x36: {  	s6 =	simm.s32 $0x500;
	s9 =	simm.s32 $0xA800  }
0x37: {  	[tilespmem:s9], [sflag:$0x4] =	stream.indirect.gather [hbm4b:s3+s17], $0x20, s6, s17, $0xb8;
	[tilespmem:$0x10800] =	vst v63  }
0x38: {  	s11 =	simm.s32 $0x580;
	s12 =	simm.s32 $0xB800  }
0x39: {  	[tilespmem:s12], [sflag:$0x4] =	stream.indirect.gather [hbm4b:s3+s17], $0x20, s11, s17, $0xb8;
	[tilespmem:$0x10800] =	vst v63  }
0x3a: {  	s13 =	simm.s32 $0x600;
	s14 =	simm.s32 $0xC800  }
0x3b: {  	[tilespmem:s14], [sflag:$0x4] =	stream.indirect.gather [hbm4b:s3+s17], $0x20, s13, s17, $0xb8;
	[tilespmem:$0x10800] =	vst v63  }
0x3c: {  	s15 =	simm.s32 $0x680;
	s19 =	simm.s32 $0xD800  }
0x3d: {  	[tilespmem:s19], [sflag:$0x4] =	stream.indirect.gather [hbm4b:s3+s17], $0x20, s15, s17, $0xb8;
	[tilespmem:$0x10800] =	vst v63  }
0x3e: {  	s20 =	simm.s32 $0x700;
	s21 =	simm.s32 $0xE800  }
0x3f: {  	[tilespmem:s21], [sflag:$0x4] =	stream.indirect.gather [hbm4b:s3+s17], $0x20, s20, s17, $0xb8;
	[tilespmem:$0x10800] =	vst v63  }
0x40: {  	s29 =	simm.s32 $0x780;
	s0 =	simm.s32 $0xF800  }
0x41: {  	[tilespmem:s0], [sflag:$0x4] =	stream.indirect.gather [hbm4b:s3+s17], $0x20, s29, s17, $0xb8;
	[tilespmem:$0x10800] =	vst v63  }
0x42: {  	_ =	swait.ge [sflag:s23], $0x8000  }
0x43: {  	[sflag:s23] =	ssyncset.done $0x0  }
0x44: {  	s28 =	rddreg [dreg:$0xa];
	[sflag:s23] =	ssyncadd.s32 $0xFFFF8000  }
0x45: {  	[tilespmem:s2], [sflag:$0x1] =	stream.linear.gather [hbm4b:s28+s2], $0x400, $0x38;
	[tilespmem:$0x10800] =	vst v63  }
0x46: {  	s28 =	rddreg [dreg:$0x7]  }
0x47: {  	[hbm4b:s28+s2] =	stream.linear.scatter [tilespmem:s18], [sflag:$0x5], $0x8000, $0x38;
	[tilespmem:$0x10800] =	vst v63  }
0x48: {  	_ =	swait.ge [sflag:s16], $0x400  }
0x49: {  	[sflag:s16] =	ssyncset.done $0x0  }
0x4a: {  	[sflag:s16] =	ssyncadd.s32 $0xFFFFFC00  }
0x4b: {  	_ =	swait.ge [sflag:s24], $0x8000  }
0x4c: {  	[sflag:s24] =	ssyncset.done $0x0  }
0x4d: {  	[sflag:s24] =	ssyncadd.s32 $0xFFFF8000  }
0x4e: {  	[tilespmem:s18], [sflag:$0x3] =	stream.indirect.gather [hbm4b:s3+s17], $0x20, s2, s17, $0xb8;
	[tilespmem:$0x10800] =	vst v63  }
0x4f: {  	s22 =	simm.s32 $0x1800  }
0x50: {  	[tilespmem:s22], [sflag:$0x3] =	stream.indirect.gather [hbm4b:s3+s17], $0x20, s17, s17, $0xb8;
	[tilespmem:$0x10800] =	vst v63  }
0x51: {  	_ = 	snop  }
0x52: {  	[tilespmem:s30], [sflag:$0x3] =	stream.indirect.gather [hbm4b:s3+s17], $0x20, s10, s17, $0xb8;
	[tilespmem:$0x10800] =	vst v63  }
0x53: {  	s22 =	simm.s32 $0x180  }
0x54: {  	[tilespmem:s31], [sflag:$0x3] =	stream.indirect.gather [hbm4b:s3+s17], $0x20, s22, s17, $0xb8;
	[tilespmem:$0x10800] =	vst v63  }
0x55: {  	s28 =	simm.s32 $0x4800;
	s22 =	simm.s32 $0x200  }
0x56: {  	[tilespmem:s28], [sflag:$0x3] =	stream.indirect.gather [hbm4b:s3+s17], $0x20, s22, s17, $0xb8;
	[tilespmem:$0x10800] =	vst v63  }
0x57: {  	s22 =	simm.s32 $0x280;
	s28 =	simm.s32 $0x5800  }
0x58: {  	[tilespmem:s28], [sflag:$0x3] =	stream.indirect.gather [hbm4b:s3+s17], $0x20, s22, s17, $0xb8;
	[tilespmem:$0x10800] =	vst v63  }
0x59: {  	s22 =	simm.s32 $0x300;
	s28 =	simm.s32 $0x6800  }
0x5a: {  	[tilespmem:s28], [sflag:$0x3] =	stream.indirect.gather [hbm4b:s3+s17], $0x20, s22, s17, $0xb8;
	[tilespmem:$0x10800] =	vst v63  }
0x5b: {  	s22 =	simm.s32 $0x380;
	s28 =	simm.s32 $0x7800  }
0x5c: {  	[tilespmem:s28], [sflag:$0x3] =	stream.indirect.gather [hbm4b:s3+s17], $0x20, s22, s17, $0xb8;
	[tilespmem:$0x10800] =	vst v63  }
0x5d: {  	_ =	swait.ge [sflag:s25], $0x8000  }
0x5e: {  	[sflag:s25] =	ssyncset.done $0x0  }
0x5f: {  	s28 =	rddreg [dreg:$0xb];
	[sflag:s25] =	ssyncadd.s32 $0xFFFF8000  }
0x60: {  	[tilespmem:s1], [sflag:$0x2] =	stream.linear.gather [hbm4b:s28+s2], $0x400, $0x38;
	[tilespmem:$0x10800] =	vst v63  }
0x61: {  	s28 =	rddreg [dreg:$0xc]  }
0x62: {  	[hbm4b:s28+s2] =	stream.linear.scatter [tilespmem:s7], [sflag:$0x6], $0x8000, $0x38;
	[tilespmem:$0x10800] =	vst v63  }
0x63: {  	_ =	swait.ge [sflag:s5], $0x400  }
0x64: {  	[sflag:s5] =	ssyncset.done $0x0  }
0x65: {  	[sflag:s5] =	ssyncadd.s32 $0xFFFFFC00  }
0x66: {  	_ =	swait.ge [sflag:s26], $0x8000  }
0x67: {  	[sflag:s26] =	ssyncset.done $0x0  }
0x68: {  	[sflag:s26] =	ssyncadd.s32 $0xFFFF8000  }
0x69: {  	[tilespmem:s7], [sflag:$0x4] =	stream.indirect.gather [hbm4b:s3+s17], $0x20, s1, s17, $0xb8;
	[tilespmem:$0x10800] =	vst v63  }
0x6a: {  	_ = 	snop  }
0x6b: {  	[tilespmem:s4], [sflag:$0x4] =	stream.indirect.gather [hbm4b:s3+s17], $0x20, s8, s17, $0xb8;
	[tilespmem:$0x10800] =	vst v63  }
0x6c: {  	_ = 	snop  }
0x6d: {  	[tilespmem:s9], [sflag:$0x4] =	stream.indirect.gather [hbm4b:s3+s17], $0x20, s6, s17, $0xb8;
	[tilespmem:$0x10800] =	vst v63  }
0x6e: {  	_ = 	snop  }
0x6f: {  	[tilespmem:s12], [sflag:$0x4] =	stream.indirect.gather [hbm4b:s3+s17], $0x20, s11, s17, $0xb8;
	[tilespmem:$0x10800] =	vst v63  }
0x70: {  	_ = 	snop  }
0x71: {  	[tilespmem:s14], [sflag:$0x4] =	stream.indirect.gather [hbm4b:s3+s17], $0x20, s13, s17, $0xb8;
	[tilespmem:$0x10800] =	vst v63  }
0x72: {  	_ = 	snop  }
0x73: {  	[tilespmem:s19], [sflag:$0x4] =	stream.indirect.gather [hbm4b:s3+s17], $0x20, s15, s17, $0xb8;
	[tilespmem:$0x10800] =	vst v63  }
0x74: {  	_ = 	snop  }
0x75: {  	[tilespmem:s21], [sflag:$0x4] =	stream.indirect.gather [hbm4b:s3+s17], $0x20, s20, s17, $0xb8;
	[tilespmem:$0x10800] =	vst v63  }
0x76: {  	_ = 	snop  }
0x77: {  	[tilespmem:s0], [sflag:$0x4] =	stream.indirect.gather [hbm4b:s3+s17], $0x20, s29, s17, $0xb8;
	[tilespmem:$0x10800] =	vst v63  }
0x78: {  	_ =	swait.ge [sflag:s23], $0x8000  }
0x79: {  	s28 =	rddreg [dreg:$0x4];
	[sflag:s23] =	ssyncset.done $0x0  }
0x7a: {  	[sflag:s23] =	ssyncadd.s32 $0xFFFF8000;
	s28 =	sadd.s32 $0x0, s28  }
0x7b: {  	[tilespmem:s2], [sflag:$0x1] =	stream.linear.gather [hbm4b:s28+s2], $0x400, $0x38;
	[tilespmem:$0x10800] =	vst v63  }
0x7c: {  	s29 =	rddreg [dreg:$0x10]  }
0x7d: {  	[hbm4b:s29+s2] =	stream.linear.scatter [tilespmem:s18], [sflag:$0x5], $0x8000, $0x38;
	[tilespmem:$0x10800] =	vst v63  }
0x7e: {  	_ =	swait.ge [sflag:s16], $0x400  }
0x7f: {  	[sflag:s16] =	ssyncset.done $0x0  }
0x80: {  	[sflag:s16] =	ssyncadd.s32 $0xFFFFFC00  }
0x81: {  	_ =	swait.ge [sflag:s24], $0x8000  }
0x82: {  	[sflag:s24] =	ssyncset.done $0x0  }
0x83: {  	[sflag:s24] =	ssyncadd.s32 $0xFFFF8000  }
0x84: {  	[tilespmem:s18], [sflag:$0x3] =	stream.indirect.gather [hbm4b:s3+s17], $0x20, s2, s17, $0xb8;
	[tilespmem:$0x10800] =	vst v63  }
0x85: {  	s22 =	simm.s32 $0x9800;
	s20 =	simm.s32 $0x1800  }
0x86: {  	[tilespmem:s20], [sflag:$0x3] =	stream.indirect.gather [hbm4b:s3+s17], $0x20, s17, s17, $0xb8;
	[tilespmem:$0x10800] =	vst v63  }
0x87: {  	s8 =	simm.s32 $0x100;
	s4 =	simm.s32 $0x300;
	s9 =	simm.s32 $0x2800  }
0x88: {  	[tilespmem:s30], [sflag:$0x3] =	stream.indirect.gather [hbm4b:s3+s17], $0x20, s10, s17, $0xb8;
	[tilespmem:$0x10800] =	vst v63  }
0x89: {  	s6 =	simm.s32 $0x200;
	s11 =	simm.s32 $0x3800;
	s21 =	simm.s32 $0x180  }
0x8a: {  	[tilespmem:s31], [sflag:$0x3] =	stream.indirect.gather [hbm4b:s3+s17], $0x20, s21, s17, $0xb8;
	[tilespmem:$0x10800] =	vst v63  }
0x8b: {  	s12 =	simm.s32 $0x200;
	s13 =	simm.s32 $0x4800;
	s14 =	simm.s32 $0x4800  }
0x8c: {  	[tilespmem:s14], [sflag:$0x3] =	stream.indirect.gather [hbm4b:s3+s17], $0x20, s6, s17, $0xb8;
	[tilespmem:$0x10800] =	vst v63  }
0x8d: {  	s15 =	simm.s32 $0x280;
	s19 =	simm.s32 $0x5800;
	s0 =	simm.s32 $0x1800  }
0x8e: {  	[tilespmem:s19], [sflag:$0x3] =	stream.indirect.gather [hbm4b:s3+s17], $0x20, s15, s17, $0xb8;
	[tilespmem:$0x10800] =	vst v63  }
0x8f: {  	s28 =	simm.s32 $0x7800;
	s20 =	simm.s32 $0x300;
	s21 =	simm.s32 $0x6800  }
0x90: {  	[tilespmem:s21], [sflag:$0x3] =	stream.indirect.gather [hbm4b:s3+s17], $0x20, s20, s17, $0xb8;
	[tilespmem:$0x10800] =	vst v63  }
0x91: {  	s10 =	simm.s32 $0x180;
	s30 =	sadd.s32 $0x20000, s29;
	s31 =	simm.s32 $0x380  }
0x92: {  	[tilespmem:s28], [sflag:$0x3] =	stream.indirect.gather [hbm4b:s3+s17], $0x20, s31, s17, $0xb8;
	[tilespmem:$0x10800] =	vst v63  }
0x93: {  	s29 =	sadd.s32 $0x40000, s29;
	s6 =	simm.s32 $0x280;
	_ =	swait.ge [sflag:s25], $0x8000  }
0x94: {  	s14 =	simm.s32 $0x5800;
	s28 =	rddreg [dreg:$0x3];
	[sflag:s25] =	ssyncset.done $0x0  }
0x95: {  	s15 =	simm.s32 $0x6800;
	[sflag:s25] =	ssyncadd.s32 $0xFFFF8000;
	s28 =	sadd.s32 $0x0, s28  }
0x96: {  	[tilespmem:s1], [sflag:$0x2] =	stream.linear.gather [hbm4b:s28+s2], $0x400, $0x38;
	[tilespmem:$0x10800] =	vst v63  }
0x97: {  	s19 =	simm.s32 $0x380;
	s20 =	simm.s32 $0x7800;
	s28 =	simm.s32 $0x2000  }
.LBB2_2:
0x98: {  	[hbm4b:s30+s2] =	stream.linear.scatter [tilespmem:s7], [sflag:$0x6], $0x8000, $0x38;
	[tilespmem:$0x10800] =	vst v63  }
0x99: {  	_ =	swait.ge [sflag:s5], $0x400  }
0x9a: {  	[sflag:s5] =	ssyncset.done $0x0  }
0x9b: {  	[sflag:s5] =	ssyncadd.s32 $0xFFFFFC00  }
0x9c: {  	_ =	swait.ge [sflag:s26], $0x8000  }
0x9d: {  	[sflag:s26] =	ssyncset.done $0x0  }
0x9e: {  	[sflag:s26] =	ssyncadd.s32 $0xFFFF8000  }
0x9f: {  	[tilespmem:s7], [sflag:$0x4] =	stream.indirect.gather [hbm4b:s3+s17], $0x20, s1, s17, $0xb8;
	[tilespmem:$0x10800] =	vst v63  }
0xa0: {  	s21 =	simm.s32 $0x480  }
0xa1: {  	[tilespmem:s22], [sflag:$0x4] =	stream.indirect.gather [hbm4b:s3+s17], $0x20, s21, s17, $0xb8;
	[tilespmem:$0x10800] =	vst v63  }
0xa2: {  	s31 =	simm.s32 $0x500;
	s21 =	simm.s32 $0xA800  }
0xa3: {  	[tilespmem:s21], [sflag:$0x4] =	stream.indirect.gather [hbm4b:s3+s17], $0x20, s31, s17, $0xb8;
	[tilespmem:$0x10800] =	vst v63  }
0xa4: {  	s21 =	simm.s32 $0x580;
	s31 =	simm.s32 $0xB800  }
0xa5: {  	[tilespmem:s31], [sflag:$0x4] =	stream.indirect.gather [hbm4b:s3+s17], $0x20, s21, s17, $0xb8;
	[tilespmem:$0x10800] =	vst v63  }
0xa6: {  	s21 =	simm.s32 $0x600;
	s31 =	simm.s32 $0xC800  }
0xa7: {  	[tilespmem:s31], [sflag:$0x4] =	stream.indirect.gather [hbm4b:s3+s17], $0x20, s21, s17, $0xb8;
	[tilespmem:$0x10800] =	vst v63  }
0xa8: {  	s21 =	simm.s32 $0x680;
	s31 =	simm.s32 $0xD800  }
0xa9: {  	[tilespmem:s31], [sflag:$0x4] =	stream.indirect.gather [hbm4b:s3+s17], $0x20, s21, s17, $0xb8;
	[tilespmem:$0x10800] =	vst v63  }
0xaa: {  	s21 =	simm.s32 $0x700;
	s31 =	simm.s32 $0xE800  }
0xab: {  	[tilespmem:s31], [sflag:$0x4] =	stream.indirect.gather [hbm4b:s3+s17], $0x20, s21, s17, $0xb8;
	[tilespmem:$0x10800] =	vst v63  }
0xac: {  	s21 =	simm.s32 $0x780;
	s31 =	simm.s32 $0xF800  }
0xad: {  	[tilespmem:s31], [sflag:$0x4] =	stream.indirect.gather [hbm4b:s3+s17], $0x20, s21, s17, $0xb8;
	[tilespmem:$0x10800] =	vst v63  }
0xae: {  	_ =	swait.ge [sflag:s23], $0x8000  }
0xaf: {  	s30 =	smov.u32 s28;
	s21 =	rddreg [dreg:$0x4];
	[sflag:s23] =	ssyncset.done $0x0  }
0xb0: {  	[sflag:s23] =	ssyncadd.s32 $0xFFFF8000;
	s31 =	sadd.s32 s30, s21  }
0xb1: {  	[tilespmem:s2], [sflag:$0x1] =	stream.linear.gather [hbm4b:s31+s2], $0x400, $0x38;
	[tilespmem:$0x10800] =	vst v63  }
0xb2: {  	_ = 	snop  }
0xb3: {  	[hbm4b:s29+s2] =	stream.linear.scatter [tilespmem:s18], [sflag:$0x5], $0x8000, $0x38;
	[tilespmem:$0x10800] =	vst v63  }
0xb4: {  	_ =	swait.ge [sflag:s16], $0x400  }
0xb5: {  	[sflag:s16] =	ssyncset.done $0x0  }
0xb6: {  	[sflag:s16] =	ssyncadd.s32 $0xFFFFFC00  }
0xb7: {  	_ =	swait.ge [sflag:s24], $0x8000  }
0xb8: {  	[sflag:s24] =	ssyncset.done $0x0  }
0xb9: {  	[sflag:s24] =	ssyncadd.s32 $0xFFFF8000  }
0xba: {  	[tilespmem:s18], [sflag:$0x3] =	stream.indirect.gather [hbm4b:s3+s17], $0x20, s2, s17, $0xb8;
	[tilespmem:$0x10800] =	vst v63  }
0xbb: {  	_ = 	snop  }
0xbc: {  	[tilespmem:s0], [sflag:$0x3] =	stream.indirect.gather [hbm4b:s3+s17], $0x20, s17, s17, $0xb8;
	[tilespmem:$0x10800] =	vst v63  }
0xbd: {  	_ = 	snop  }
0xbe: {  	[tilespmem:s9], [sflag:$0x3] =	stream.indirect.gather [hbm4b:s3+s17], $0x20, s8, s17, $0xb8;
	[tilespmem:$0x10800] =	vst v63  }
0xbf: {  	_ = 	snop  }
0xc0: {  	[tilespmem:s11], [sflag:$0x3] =	stream.indirect.gather [hbm4b:s3+s17], $0x20, s10, s17, $0xb8;
	[tilespmem:$0x10800] =	vst v63  }
0xc1: {  	_ = 	snop  }
0xc2: {  	[tilespmem:s13], [sflag:$0x3] =	stream.indirect.gather [hbm4b:s3+s17], $0x20, s12, s17, $0xb8;
	[tilespmem:$0x10800] =	vst v63  }
0xc3: {  	_ = 	snop  }
0xc4: {  	[tilespmem:s14], [sflag:$0x3] =	stream.indirect.gather [hbm4b:s3+s17], $0x20, s6, s17, $0xb8;
	[tilespmem:$0x10800] =	vst v63  }
0xc5: {  	_ = 	snop  }
0xc6: {  	[tilespmem:s15], [sflag:$0x3] =	stream.indirect.gather [hbm4b:s3+s17], $0x20, s4, s17, $0xb8;
	[tilespmem:$0x10800] =	vst v63  }
0xc7: {  	p0 =	sne.s32 s28, $0x12000  }
0xc8: {  	[tilespmem:s20], [sflag:$0x3] =	stream.indirect.gather [hbm4b:s3+s17], $0x20, s19, s17, $0xb8;
	[tilespmem:$0x10800] =	vst v63  }
.Ltmp0:
0xc9: {  	_ =	swait.ge [sflag:s25], $0x8000;
	(pc) =	sbr.rel @p0 .LBB2_2-.Ltmp0, $4  }
0xca: {  	s21 =	rddreg [dreg:$0x3];
	[sflag:s25] =	ssyncset.done $0x0  }
0xcb: {  	[sflag:s25] =	ssyncadd.s32 $0xFFFF8000;
	s30 =	sadd.s32 s30, s21  }
0xcc: {  	[tilespmem:s1], [sflag:$0x2] =	stream.linear.gather [hbm4b:s30+s2], $0x400, $0x38;
	[tilespmem:$0x10800] =	vst v63  }
0xcd: {  	s28 =	sadd.s32 $0x2000, s28;
	s30 =	sadd.s32 $0x20000, s29;
	s29 =	sadd.s32 $0x40000, s29  }
0xce: {  	[hbm4b:s30+s2] =	stream.linear.scatter [tilespmem:s7], [sflag:$0x6], $0x8000, $0x38;
	[tilespmem:$0x10800] =	vst v63  }
0xcf: {  	_ =	swait.ge [sflag:s5], $0x400  }
0xd0: {  	[sflag:s5] =	ssyncset.done $0x0  }
0xd1: {  	[sflag:s5] =	ssyncadd.s32 $0xFFFFFC00  }
0xd2: {  	_ =	swait.ge [sflag:s26], $0x8000  }
0xd3: {  	[sflag:s26] =	ssyncset.done $0x0  }
0xd4: {  	[sflag:s26] =	ssyncadd.s32 $0xFFFF8000  }
0xd5: {  	[tilespmem:s7], [sflag:$0x4] =	stream.indirect.gather [hbm4b:s3+s17], $0x20, s1, s17, $0xb8;
	[tilespmem:$0x10800] =	vst v63  }
0xd6: {  	s21 =	simm.s32 $0x480  }
0xd7: {  	[tilespmem:s22], [sflag:$0x4] =	stream.indirect.gather [hbm4b:s3+s17], $0x20, s21, s17, $0xb8;
	[tilespmem:$0x10800] =	vst v63  }
0xd8: {  	s28 =	simm.s32 $0x500;
	s29 =	simm.s32 $0xA800  }
0xd9: {  	[tilespmem:s29], [sflag:$0x4] =	stream.indirect.gather [hbm4b:s3+s17], $0x20, s28, s17, $0xb8;
	[tilespmem:$0x10800] =	vst v63  }
0xda: {  	s30 =	simm.s32 $0x580;
	s31 =	simm.s32 $0xB800  }
0xdb: {  	[tilespmem:s31], [sflag:$0x4] =	stream.indirect.gather [hbm4b:s3+s17], $0x20, s30, s17, $0xb8;
	[tilespmem:$0x10800] =	vst v63  }
0xdc: {  	s28 =	simm.s32 $0x600;
	s29 =	simm.s32 $0xC800  }
0xdd: {  	[tilespmem:s29], [sflag:$0x4] =	stream.indirect.gather [hbm4b:s3+s17], $0x20, s28, s17, $0xb8;
	[tilespmem:$0x10800] =	vst v63  }
0xde: {  	s30 =	simm.s32 $0x680;
	s31 =	simm.s32 $0xD800  }
0xdf: {  	[tilespmem:s31], [sflag:$0x4] =	stream.indirect.gather [hbm4b:s3+s17], $0x20, s30, s17, $0xb8;
	[tilespmem:$0x10800] =	vst v63  }
0xe0: {  	s28 =	simm.s32 $0x700;
	s29 =	simm.s32 $0xE800  }
0xe1: {  	[tilespmem:s29], [sflag:$0x4] =	stream.indirect.gather [hbm4b:s3+s17], $0x20, s28, s17, $0xb8;
	[tilespmem:$0x10800] =	vst v63  }
0xe2: {  	s30 =	simm.s32 $0x780;
	s31 =	simm.s32 $0xF800  }
0xe3: {  	[tilespmem:s31], [sflag:$0x4] =	stream.indirect.gather [hbm4b:s3+s17], $0x20, s30, s17, $0xb8;
	[tilespmem:$0x10800] =	vst v63  }
0xe4: {  	_ =	swait.ge [sflag:s23], $0x8000  }
0xe5: {  	[sflag:s23] =	ssyncset.done $0x0  }
0xe6: {  	s28 =	rddreg [dreg:$0xd];
	[sflag:s23] =	ssyncadd.s32 $0xFFFF8000  }
0xe7: {  	[tilespmem:s2], [sflag:$0x1] =	stream.linear.gather [hbm4b:s28+s2], $0x400, $0x38;
	[tilespmem:$0x10800] =	vst v63  }
0xe8: {  	s21 =	rddreg [dreg:$0xe]  }
0xe9: {  	[hbm4b:s21+s2] =	stream.linear.scatter [tilespmem:s18], [sflag:$0x5], $0x8000, $0x38;
	[tilespmem:$0x10800] =	vst v63  }
0xea: {  	_ =	swait.ge [sflag:s16], $0x400  }
0xeb: {  	[sflag:s16] =	ssyncset.done $0x0  }
0xec: {  	[sflag:s16] =	ssyncadd.s32 $0xFFFFFC00  }
0xed: {  	_ =	swait.ge [sflag:s24], $0x8000  }
0xee: {  	[sflag:s24] =	ssyncset.done $0x0  }
0xef: {  	[sflag:s24] =	ssyncadd.s32 $0xFFFF8000  }
0xf0: {  	[tilespmem:s18], [sflag:$0x3] =	stream.indirect.gather [hbm4b:s3+s17], $0x20, s2, s17, $0xb8;
	[tilespmem:$0x10800] =	vst v63  }
0xf1: {  	_ = 	snop  }
0xf2: {  	[tilespmem:s0], [sflag:$0x3] =	stream.indirect.gather [hbm4b:s3+s17], $0x20, s17, s17, $0xb8;
	[tilespmem:$0x10800] =	vst v63  }
0xf3: {  	_ = 	snop  }
0xf4: {  	[tilespmem:s9], [sflag:$0x3] =	stream.indirect.gather [hbm4b:s3+s17], $0x20, s8, s17, $0xb8;
	[tilespmem:$0x10800] =	vst v63  }
0xf5: {  	_ = 	snop  }
0xf6: {  	[tilespmem:s11], [sflag:$0x3] =	stream.indirect.gather [hbm4b:s3+s17], $0x20, s10, s17, $0xb8;
	[tilespmem:$0x10800] =	vst v63  }
0xf7: {  	_ = 	snop  }
0xf8: {  	[tilespmem:s13], [sflag:$0x3] =	stream.indirect.gather [hbm4b:s3+s17], $0x20, s12, s17, $0xb8;
	[tilespmem:$0x10800] =	vst v63  }
0xf9: {  	_ = 	snop  }
0xfa: {  	[tilespmem:s14], [sflag:$0x3] =	stream.indirect.gather [hbm4b:s3+s17], $0x20, s6, s17, $0xb8;
	[tilespmem:$0x10800] =	vst v63  }
0xfb: {  	_ = 	snop  }
0xfc: {  	[tilespmem:s15], [sflag:$0x3] =	stream.indirect.gather [hbm4b:s3+s17], $0x20, s4, s17, $0xb8;
	[tilespmem:$0x10800] =	vst v63  }
0xfd: {  	_ = 	snop  }
0xfe: {  	[tilespmem:s20], [sflag:$0x3] =	stream.indirect.gather [hbm4b:s3+s17], $0x20, s19, s17, $0xb8;
	[tilespmem:$0x10800] =	vst v63  }
0xff: {  	_ =	swait.ge [sflag:s25], $0x8000  }
0x100: {  	[sflag:s25] =	ssyncset.done $0x0  }
0x101: {  	s22 =	rddreg [dreg:$0xf];
	[sflag:s25] =	ssyncadd.s32 $0xFFFF8000  }
0x102: {  	[hbm4b:s22+s2] =	stream.linear.scatter [tilespmem:s7], [sflag:$0x6], $0x8000, $0x38;
	[tilespmem:$0x10800] =	vst v63  }
0x103: {  	_ =	swait.ge [sflag:s23], $0x8000  }
0x104: {  	[sflag:s23] =	ssyncset.done $0x0  }
0x105: {  	[sflag:s23] =	ssyncadd.s32 $0xFFFF8000  }
0x106: {  	_ =	swait.ge [sflag:s26], $0x8000  }
0x107: {  	[sflag:s26] =	ssyncset.done $0x0  }
0x108: {  	s29 =	rddreg [dreg:$0x8];
	[sflag:s26] =	ssyncadd.s32 $0xFFFF8000  }
0x109: {  	[hbm4b:s29+s2] =	stream.linear.scatter [tilespmem:s18], [sflag:$0x5], $0x8000, $0x38;
	[tilespmem:$0x10800] =	vst v63  }
0x10a: {  	_ =	swait.ge [sflag:s24], $0x8000  }
0x10b: {  	s30 =	rddreg [dreg:$0x11]  }
0x10c: {  	s31 =	rddreg [dreg:$0x9];
	s0 =	sadd.s32 $0x1, s30  }
0x10d: {  	p0 =	sne.s32 s0, s31  }
.Ltmp1:
0x10e: {  	_ = 	snop;
	(pc) =	sbr.rel @p0 .LBB2_1-.Ltmp1, $3  }
0x10f: {  	_ =	sdelay $0x1  }
0x110: {  	[sflag:s24] =	ssyncset.done $0x0  }
0x111: {  	[sflag:s24] =	ssyncadd.s32 $0xFFFF8000  }
0x112: {  	_ =	sfence.sel $0x180000  }
0x113: {  	[bflag:$0x0] =	sbarrier.arrive $0xFFFF  }
0x114: {  	_ =	strace $0x90000047  }
0x115: {  	s0 =	stileid.u32;
	[bflag:$0x2] =	sbarrier.arrive $0xFFFF  }
0x116: {  	p0 =	sne.s32 s0, $0x0;
	s0 =	rddreg [dreg:$0x2]  }
0x117: {  	s0 =	sadd.s32 @!p0 $0x100000, s0  }
0x118: {  	[sflag:s0] =	ssyncadd.tile.s32 @!p0 $0x1;
	_ =	shalt  }
.Lfunc_end2:
_tile_overlayer_lowered:
.L_overlay_start_2:
0x119: {  	(tag) =	ssettag $0x2  }
0x11a: {  	s0 =	rddreg [dreg:$0x0];
	s2 =	stileid.u32  }
0x11b: {  	s1 =	rddreg [dreg:$0x1];
	p0 =	sne.s32 s2, $0x0  }
0x11c: {  	s3 =	rddreg [dreg:$0x2];
	[bflag:$0x3] =	sbarrier.arrive $0xFFFF;
	s2 =	simm.s32 @!p0 $0x1C07  }
0x11d: {  	[timem:s3], [sflag:s2] =	dma.local @!p0 [hbm:s0], s1  }
0x11e: {  	s0 =	simm.s32 @!p0 $0x7  }
0x11f: {  	_ =	swait.ge @!p0 [sflag:s0], s1  }
0x120: {  	s1 =	ssub.s32 @!p0 $0x0, s1;
	[sflag:s0] =	ssyncset.done @!p0 $0x0  }
0x121: {  	[sflag:s0] =	ssyncadd.s32 @!p0 s1  }
0x122: {  	[bflag:$0x3] =	sbarrier.arrive $0xFFFF  }
0x123: {  	_ =	shalt  }

</sc_bundles>
